<compile_context>
chip_gen: v7x
topology: tpu7x:2x2x1
jax: 0.10.2.dev20260603
libtpu: 0.0.44.dev20260713+nightly
codegen_flags: <defaults>
</compile_context>

<pallas_src>
import numpy as np

import jax
import jax.numpy as jnp
from jax import lax
from jax.experimental import pallas as pl
from jax.experimental.pallas import tpu as pltpu
from jax.experimental.pallas import tpu_sc as plsc

N_NODES = 10000
D = 128
N_EDGES = 320000

NC = 2
NS = 16
NW = NC * NS

BATCH = 128
N_ITERS = 80
E_PER_W = BATCH * N_ITERS
E_PAD = NW * E_PER_W
N_PAD = 10240
ROWS_PER_TILE = N_PAD // NS
HALF_ITERS = N_ITERS // 2
STEP_BYTES = BATCH * D * 4


def _sc_aggregate_body(x_hbm, e_hbm, out_hbm,
                       idx_s, idx_d, rows, agg, sem_g, sem_s):
    c = lax.axis_index("c")
    s = lax.axis_index("s")
    wid = s * NC + c

    pltpu.async_copy(e_hbm.at[0, wid, pl.ds(0, HALF_ITERS)], idx_s, sem_g)
    pltpu.async_copy(e_hbm.at[1, wid, pl.ds(0, HALF_ITERS)], idx_d, sem_s)

    @pl.loop(0, BATCH)
    def _zrow(r):
        for jj in range(D // 16):
            rows[0, r, pl.ds(jj * 16, 16)] = jnp.zeros((16,), jnp.float32)

    r0 = s * ROWS_PER_TILE
    for z in range(ROWS_PER_TILE // BATCH):
        pltpu.sync_copy(rows.at[0], agg.at[pl.ds(r0 + z * BATCH, BATCH)])

    pltpu.make_async_copy(e_hbm.at[0, wid, pl.ds(0, HALF_ITERS)], idx_s, sem_g).wait()
    pltpu.make_async_copy(e_hbm.at[1, wid, pl.ds(0, HALF_ITERS)], idx_d, sem_s).wait()
    plsc.subcore_barrier()

    def start_gather(i, b):
        pltpu.async_copy(x_hbm.at[idx_s.at[i]], rows.at[b], sem_g)

    def start_scatter(i, b):
        pltpu.async_copy(rows.at[b], agg.at[idx_d.at[i]], sem_s, add=True)

    def wait_gather(b):
        pltpu.make_async_copy(x_hbm.at[pl.ds(0, BATCH)], rows.at[b], sem_g).wait()

    def wait_scatter(b):
        pltpu.make_async_copy(x_hbm.at[pl.ds(0, BATCH)], rows.at[b], sem_s).wait()

    for h in range(2):
        if h > 0:
            pltpu.sync_copy(e_hbm.at[0, wid, pl.ds(h * HALF_ITERS, HALF_ITERS)], idx_s)
            pltpu.sync_copy(e_hbm.at[1, wid, pl.ds(h * HALF_ITERS, HALF_ITERS)], idx_d)
        start_gather(0, 0)

        @pl.loop(0, HALF_ITERS, step=2)
        def _pipe(i0):
            for b in range(2):
                i = i0 + b
                @pl.when(i >= 1)
                def _():
                    wait_scatter(1 - b)

                @pl.when(i + 1 < HALF_ITERS)
                def _():
                    start_gather(i + 1, 1 - b)

                wait_gather(b)
                start_scatter(i, b)

        wait_scatter(1)

    plsc.subcore_barrier()

    pltpu.sync_copy(agg.at[pl.ds(r0, ROWS_PER_TILE)],
                    out_hbm.at[pl.ds(c * N_PAD + r0, ROWS_PER_TILE)])


def _sc_aggregate(x, edges):
    mesh = plsc.VectorSubcoreMesh(core_axis_name="c", subcore_axis_name="s")
    return pl.kernel(
        _sc_aggregate_body,
        out_type=jax.ShapeDtypeStruct((NC * N_PAD, D), jnp.float32),
        mesh=mesh,
        scratch_types=[
            pltpu.VMEM((HALF_ITERS, BATCH), jnp.int32),
            pltpu.VMEM((HALF_ITERS, BATCH), jnp.int32),
            pltpu.VMEM((2, BATCH, D), jnp.float32),
            pltpu.VMEM_SHARED((N_PAD, D), jnp.float32),
            pltpu.SemaphoreType.DMA,
            pltpu.SemaphoreType.DMA,
        ],
    )(x, edges)


def _mlp_body(x_ref, p_ref, w1_ref, b1_ref, w2_ref, b2_ref, o_ref):
    h = x_ref[...] + p_ref[0] + p_ref[1]
    h = jnp.dot(h, w1_ref[...], preferred_element_type=jnp.float32) + b1_ref[...]
    h = jnp.maximum(h, 0.0)
    o_ref[...] = jnp.dot(h, w2_ref[...], preferred_element_type=jnp.float32) + b2_ref[...]


MLP_BLK = 2048


def _mlp(x, partials, W1, b1, W2, b2):
    grid = (pl.cdiv(N_NODES, MLP_BLK),)
    row_spec = pl.BlockSpec((MLP_BLK, D), lambda i: (i, 0))
    p_spec = pl.BlockSpec((2, MLP_BLK, D), lambda i: (0, i, 0))
    full_spec = pl.BlockSpec((D, D), lambda i: (0, 0))
    bias_spec = pl.BlockSpec((1, D), lambda i: (0, 0))
    return pl.pallas_call(
        _mlp_body,
        grid=grid,
        in_specs=[row_spec, p_spec,
                  full_spec, bias_spec, full_spec, bias_spec],
        out_specs=row_spec,
        out_shape=jax.ShapeDtypeStruct((N_NODES, D), jnp.float32),
    )(x, partials.reshape(NC, N_PAD, D), W1, b1.reshape(1, D), W2,
      b2.reshape(1, D))


_FILL = np.arange(E_PAD - N_EDGES, dtype=np.int32)
_PAD_EDGES = np.stack([_FILL % N_NODES, N_NODES + _FILL % (N_PAD - N_NODES)])


def kernel(x, edge_index, W1, b1, W2, b2):
    edges = jnp.concatenate([edge_index.astype(jnp.int32),
                             jnp.asarray(_PAD_EDGES)], axis=1)
    edges = edges.reshape(2, NW, N_ITERS, BATCH)
    partials = _sc_aggregate(x, edges)
    return _mlp(x, partials, W1, b1, W2, b2)

# --- scband reference (transcript-rebuilt; emitter-appended) ---
"""Pipeline reference for scband-ginconv-graph-gym-layer-80711025426654 (READ-ONLY COPY).

The authoritative reference and input builder live on the scoring server;
editing this copy changes nothing except your own understanding.
"""

import jax, jax.numpy as jnp
import numpy as np

N_NODES = 10000
D_IN = 128
D_OUT = 128
N_EDGES = 320000


def setup_inputs(seed: int = 0) -> dict:
    key = jax.random.key(seed)
    k_x, k_e, k_w1, k_b1, k_w2, k_b2 = jax.random.split(key, 6)
    x = jax.random.normal(k_x, (N_NODES, D_IN), dtype=jnp.float32)
    edge_index = jax.random.randint(k_e, (2, N_EDGES), 0, N_NODES, dtype=jnp.int64)
    # Kaiming-ish init for the GIN MLP: Linear(D_IN->D_OUT), ReLU, Linear(D_OUT->D_OUT)
    W1 = jax.random.normal(k_w1, (D_IN, D_OUT), dtype=jnp.float32) * (1.0 / np.sqrt(D_IN))
    b1 = jnp.zeros((D_OUT,), dtype=jnp.float32)
    W2 = jax.random.normal(k_w2, (D_OUT, D_OUT), dtype=jnp.float32) * (1.0 / np.sqrt(D_OUT))
    b2 = jnp.zeros((D_OUT,), dtype=jnp.float32)
    return {"x": x, "edge_index": edge_index, "W1": W1, "b1": b1, "W2": W2, "b2": b2}


def reference(x, edge_index, W1, b1, W2, b2):
    # PyG GINConv with default eps=0.0, train_eps=False:
    #   out = nn((1 + eps) * x + sum_{j in N(i)} x_j)
    # edge_index[0] = src, edge_index[1] = dst; messages flow src -> dst (sum aggregation).
    src = edge_index[0]
    dst = edge_index[1]
    msgs = jnp.take(x, src, axis=0)                       # gather source node features
    agg = jax.ops.segment_sum(msgs, dst, num_segments=x.shape[0])  # scatter-add at dst
    h = (1.0 + 0.0) * x + agg
    h = h @ W1 + b1
    h = jax.nn.relu(h)
    h = h @ W2 + b2
    return h

if __name__ == "__main__":
    import jax
    _d = setup_inputs()
    print(jax.jit(kernel)(*tuple(_d.values())))

</pallas_src>

<mosaic_0001>
#map = affine_map<(d0, d1) -> (0, 0)>
#map1 = affine_map<(d0, d1) -> (0, 0, 0, 0)>
module attributes {stable_mosaic.version = 14 : i64} {
  func.func @_sc_aggregate_body(%arg0: i32, %arg1: i32, %arg2: memref<10000x128xf32, #tpu.memory_space<hbm>>, %arg3: memref<2x32x80x128xi32, #tpu.memory_space<hbm>>, %arg4: memref<20480x128xf32, #tpu.memory_space<hbm>>, %arg5: memref<40x128xi32, #tpu.memory_space<vmem>>, %arg6: memref<40x128xi32, #tpu.memory_space<vmem>>, %arg7: memref<2x128x128xf32, #tpu.memory_space<vmem>>, %arg8: memref<10240x128xf32, #tpu.memory_space<vmem_shared>>, %arg9: memref<!tpu.dma_semaphore, #tpu.memory_space<semaphore_mem>>, %arg10: memref<!tpu.dma_semaphore, #tpu.memory_space<semaphore_mem>>) attributes {dimension_semantics = [#tpu.dimension_semantics<core_parallel>, #tpu.dimension_semantics<subcore_parallel>], iteration_bounds = array<i64: 2, 16>, scalar_prefetch = 0 : i64, scratch_operands = 6 : i64, tpu.core_type = #tpu.core_type<sc_vector_subcore>, window_params = [{transform_indices = #map}, {transform_indices = #map1}, {transform_indices = #map}]} {
    %mul3A = arith.constant 2 : i32
    %mul3A_0 = arith.muli %arg1, %mul3A : i32
    %add3A = arith.addi %mul3A_0, %arg0 : i32
    %dma_start3A = arith.constant 0 : i32
    %dma_start3A_1 = arith.constant 0 : i32
    %dma_start3A_2 = arith.constant 0 : i32
    %dma_start3A_3 = tpu.memref_slice %arg3[%dma_start3A, %add3A, %dma_start3A_1, %dma_start3A_2] : memref<2x32x80x128xi32, #tpu.memory_space<hbm>> -> memref<1x1x40x128xi32, #tpu.memory_space<hbm>>
    %dma_start3A_4 = tpu.memref_squeeze %dma_start3A_3 : memref<1x1x40x128xi32, #tpu.memory_space<hbm>> -> memref<40x128xi32, #tpu.memory_space<hbm>>
    %dma_start3A_5 = arith.constant 0 : i32
    %dma_start3A_6 = arith.constant 0 : i32
    %dma_start3A_7 = tpu.memref_slice %arg3[%dma_start3A, %add3A, %dma_start3A_5, %dma_start3A_6] : memref<2x32x80x128xi32, #tpu.memory_space<hbm>> -> memref<1x1x40x128xi32, #tpu.memory_space<hbm>>
    %dma_start3A_8 = tpu.memref_squeeze %dma_start3A_7 : memref<1x1x40x128xi32, #tpu.memory_space<hbm>> -> memref<40x128xi32, #tpu.memory_space<hbm>>
    tpu.enqueue_dma source(%dma_start3A_8 : memref<40x128xi32, #tpu.memory_space<hbm>>) target(%arg5 : memref<40x128xi32, #tpu.memory_space<vmem>>) target_semaphore(%arg9 : memref<!tpu.dma_semaphore, #tpu.memory_space<semaphore_mem>>)
    %dma_start3A_9 = arith.constant 1 : i32
    %dma_start3A_10 = arith.constant 0 : i32
    %dma_start3A_11 = arith.constant 0 : i32
    %dma_start3A_12 = tpu.memref_slice %arg3[%dma_start3A_9, %add3A, %dma_start3A_10, %dma_start3A_11] : memref<2x32x80x128xi32, #tpu.memory_space<hbm>> -> memref<1x1x40x128xi32, #tpu.memory_space<hbm>>
    %dma_start3A_13 = tpu.memref_squeeze %dma_start3A_12 : memref<1x1x40x128xi32, #tpu.memory_space<hbm>> -> memref<40x128xi32, #tpu.memory_space<hbm>>
    %dma_start3A_14 = arith.constant 0 : i32
    %dma_start3A_15 = arith.constant 0 : i32
    %dma_start3A_16 = tpu.memref_slice %arg3[%dma_start3A_9, %add3A, %dma_start3A_14, %dma_start3A_15] : memref<2x32x80x128xi32, #tpu.memory_space<hbm>> -> memref<1x1x40x128xi32, #tpu.memory_space<hbm>>
    %dma_start3A_17 = tpu.memref_squeeze %dma_start3A_16 : memref<1x1x40x128xi32, #tpu.memory_space<hbm>> -> memref<40x128xi32, #tpu.memory_space<hbm>>
    tpu.enqueue_dma source(%dma_start3A_17 : memref<40x128xi32, #tpu.memory_space<hbm>>) target(%arg6 : memref<40x128xi32, #tpu.memory_space<vmem>>) target_semaphore(%arg10 : memref<!tpu.dma_semaphore, #tpu.memory_space<semaphore_mem>>)
    %scan3A = arith.constant 0 : i32
    %scan3A_18 = arith.constant 128 : i32
    %scan3A_19 = arith.addi %scan3A, %scan3A_18 : i32
    %scan3A_20 = arith.constant 1 : i32
    scf.for %scan3A_125 = %scan3A to %scan3A_19 step %scan3A_20  : i32 {
      %mul3A_126 = arith.constant 1 : i32
      %mul3A_127 = arith.muli %scan3A_125, %mul3A_126 : i32
      %add3A_128 = arith.constant 0 : i32
      %add3A_129 = arith.addi %add3A_128, %mul3A_127 : i32
      %broadcast_in_dim3A = arith.constant 0.000000e+00 : f32
      %broadcast_in_dim3A_130 = vector.broadcast %broadcast_in_dim3A : f32 to vector<16xf32>
      %swap3A = arith.constant 0 : i32
      %swap3A_131 = arith.index_cast %swap3A : i32 to index
      %swap3A_132 = arith.index_cast %add3A_129 : i32 to index
      %swap3A_133 = arith.constant 0 : index
      %swap3A_134 = tpu.vector_load %arg7[%swap3A_131, %swap3A_132, %swap3A_133] {strides = array<i32>} : memref<2x128x128xf32, #tpu.memory_space<vmem>>, vector<1x1x16xf32>,
      %swap3A_135 = vector.shape_cast %swap3A_134 : vector<1x1x16xf32> to vector<16xf32>
      %swap3A_136 = vector.shape_cast %broadcast_in_dim3A_130 : vector<16xf32> to vector<1x1x16xf32>
      tpu.vector_store %arg7[%swap3A_131, %swap3A_132, %swap3A_133], %swap3A_136 {strides = array<i32>} : memref<2x128x128xf32, #tpu.memory_space<vmem>>, vector<1x1x16xf32>,
      %broadcast_in_dim3A_137 = arith.constant 0.000000e+00 : f32
      %broadcast_in_dim3A_138 = vector.broadcast %broadcast_in_dim3A_137 : f32 to vector<16xf32>
      %swap3A_139 = arith.constant 0 : i32
      %swap3A_140 = arith.index_cast %swap3A_139 : i32 to index
      %swap3A_141 = arith.index_cast %add3A_129 : i32 to index
      %swap3A_142 = arith.constant 16 : index
      %swap3A_143 = tpu.vector_load %arg7[%swap3A_140, %swap3A_141, %swap3A_142] {strides = array<i32>} : memref<2x128x128xf32, #tpu.memory_space<vmem>>, vector<1x1x16xf32>,
      %swap3A_144 = vector.shape_cast %swap3A_143 : vector<1x1x16xf32> to vector<16xf32>
      %swap3A_145 = vector.shape_cast %broadcast_in_dim3A_138 : vector<16xf32> to vector<1x1x16xf32>
      tpu.vector_store %arg7[%swap3A_140, %swap3A_141, %swap3A_142], %swap3A_145 {strides = array<i32>} : memref<2x128x128xf32, #tpu.memory_space<vmem>>, vector<1x1x16xf32>,
      %broadcast_in_dim3A_146 = arith.constant 0.000000e+00 : f32
      %broadcast_in_dim3A_147 = vector.broadcast %broadcast_in_dim3A_146 : f32 to vector<16xf32>
      %swap3A_148 = arith.constant 0 : i32
      %swap3A_149 = arith.index_cast %swap3A_148 : i32 to index
      %swap3A_150 = arith.index_cast %add3A_129 : i32 to index
      %swap3A_151 = arith.constant 32 : index
      %swap3A_152 = tpu.vector_load %arg7[%swap3A_149, %swap3A_150, %swap3A_151] {strides = array<i32>} : memref<2x128x128xf32, #tpu.memory_space<vmem>>, vector<1x1x16xf32>,
      %swap3A_153 = vector.shape_cast %swap3A_152 : vector<1x1x16xf32> to vector<16xf32>
      %swap3A_154 = vector.shape_cast %broadcast_in_dim3A_147 : vector<16xf32> to vector<1x1x16xf32>
      tpu.vector_store %arg7[%swap3A_149, %swap3A_150, %swap3A_151], %swap3A_154 {strides = array<i32>} : memref<2x128x128xf32, #tpu.memory_space<vmem>>, vector<1x1x16xf32>,
      %broadcast_in_dim3A_155 = arith.constant 0.000000e+00 : f32
      %broadcast_in_dim3A_156 = vector.broadcast %broadcast_in_dim3A_155 : f32 to vector<16xf32>
      %swap3A_157 = arith.constant 0 : i32
      %swap3A_158 = arith.index_cast %swap3A_157 : i32 to index
      %swap3A_159 = arith.index_cast %add3A_129 : i32 to index
      %swap3A_160 = arith.constant 48 : index
      %swap3A_161 = tpu.vector_load %arg7[%swap3A_158, %swap3A_159, %swap3A_160] {strides = array<i32>} : memref<2x128x128xf32, #tpu.memory_space<vmem>>, vector<1x1x16xf32>,
      %swap3A_162 = vector.shape_cast %swap3A_161 : vector<1x1x16xf32> to vector<16xf32>
      %swap3A_163 = vector.shape_cast %broadcast_in_dim3A_156 : vector<16xf32> to vector<1x1x16xf32>
      tpu.vector_store %arg7[%swap3A_158, %swap3A_159, %swap3A_160], %swap3A_163 {strides = array<i32>} : memref<2x128x128xf32, #tpu.memory_space<vmem>>, vector<1x1x16xf32>,
      %broadcast_in_dim3A_164 = arith.constant 0.000000e+00 : f32
      %broadcast_in_dim3A_165 = vector.broadcast %broadcast_in_dim3A_164 : f32 to vector<16xf32>
      %swap3A_166 = arith.constant 0 : i32
      %swap3A_167 = arith.index_cast %swap3A_166 : i32 to index
      %swap3A_168 = arith.index_cast %add3A_129 : i32 to index
      %swap3A_169 = arith.constant 64 : index
      %swap3A_170 = tpu.vector_load %arg7[%swap3A_167, %swap3A_168, %swap3A_169] {strides = array<i32>} : memref<2x128x128xf32, #tpu.memory_space<vmem>>, vector<1x1x16xf32>,
      %swap3A_171 = vector.shape_cast %swap3A_170 : vector<1x1x16xf32> to vector<16xf32>
      %swap3A_172 = vector.shape_cast %broadcast_in_dim3A_165 : vector<16xf32> to vector<1x1x16xf32>
      tpu.vector_store %arg7[%swap3A_167, %swap3A_168, %swap3A_169], %swap3A_172 {strides = array<i32>} : memref<2x128x128xf32, #tpu.memory_space<vmem>>, vector<1x1x16xf32>,
      %broadcast_in_dim3A_173 = arith.constant 0.000000e+00 : f32
      %broadcast_in_dim3A_174 = vector.broadcast %broadcast_in_dim3A_173 : f32 to vector<16xf32>
      %swap3A_175 = arith.constant 0 : i32
      %swap3A_176 = arith.index_cast %swap3A_175 : i32 to index
      %swap3A_177 = arith.index_cast %add3A_129 : i32 to index
      %swap3A_178 = arith.constant 80 : index
      %swap3A_179 = tpu.vector_load %arg7[%swap3A_176, %swap3A_177, %swap3A_178] {strides = array<i32>} : memref<2x128x128xf32, #tpu.memory_space<vmem>>, vector<1x1x16xf32>,
      %swap3A_180 = vector.shape_cast %swap3A_179 : vector<1x1x16xf32> to vector<16xf32>
      %swap3A_181 = vector.shape_cast %broadcast_in_dim3A_174 : vector<16xf32> to vector<1x1x16xf32>
      tpu.vector_store %arg7[%swap3A_176, %swap3A_177, %swap3A_178], %swap3A_181 {strides = array<i32>} : memref<2x128x128xf32, #tpu.memory_space<vmem>>, vector<1x1x16xf32>,
      %broadcast_in_dim3A_182 = arith.constant 0.000000e+00 : f32
      %broadcast_in_dim3A_183 = vector.broadcast %broadcast_in_dim3A_182 : f32 to vector<16xf32>
      %swap3A_184 = arith.constant 0 : i32
      %swap3A_185 = arith.index_cast %swap3A_184 : i32 to index
      %swap3A_186 = arith.index_cast %add3A_129 : i32 to index
      %swap3A_187 = arith.constant 96 : index
      %swap3A_188 = tpu.vector_load %arg7[%swap3A_185, %swap3A_186, %swap3A_187] {strides = array<i32>} : memref<2x128x128xf32, #tpu.memory_space<vmem>>, vector<1x1x16xf32>,
      %swap3A_189 = vector.shape_cast %swap3A_188 : vector<1x1x16xf32> to vector<16xf32>
      %swap3A_190 = vector.shape_cast %broadcast_in_dim3A_183 : vector<16xf32> to vector<1x1x16xf32>
      tpu.vector_store %arg7[%swap3A_185, %swap3A_186, %swap3A_187], %swap3A_190 {strides = array<i32>} : memref<2x128x128xf32, #tpu.memory_space<vmem>>, vector<1x1x16xf32>,
      %broadcast_in_dim3A_191 = arith.constant 0.000000e+00 : f32
      %broadcast_in_dim3A_192 = vector.broadcast %broadcast_in_dim3A_191 : f32 to vector<16xf32>
      %swap3A_193 = arith.constant 0 : i32
      %swap3A_194 = arith.index_cast %swap3A_193 : i32 to index
      %swap3A_195 = arith.index_cast %add3A_129 : i32 to index
      %swap3A_196 = arith.constant 112 : index
      %swap3A_197 = tpu.vector_load %arg7[%swap3A_194, %swap3A_195, %swap3A_196] {strides = array<i32>} : memref<2x128x128xf32, #tpu.memory_space<vmem>>, vector<1x1x16xf32>,
      %swap3A_198 = vector.shape_cast %swap3A_197 : vector<1x1x16xf32> to vector<16xf32>
      %swap3A_199 = vector.shape_cast %broadcast_in_dim3A_192 : vector<16xf32> to vector<1x1x16xf32>
      tpu.vector_store %arg7[%swap3A_194, %swap3A_195, %swap3A_196], %swap3A_199 {strides = array<i32>} : memref<2x128x128xf32, #tpu.memory_space<vmem>>, vector<1x1x16xf32>,
    }
    %scan3A_21 = arith.constant 128 : i32
    %mul3A_22 = arith.constant 640 : i32
    %mul3A_23 = arith.muli %arg1, %mul3A_22 : i32
    %add3A_24 = arith.constant 0 : i32
    %add3A_25 = arith.addi %mul3A_23, %add3A_24 : i32
    %run_scoped3A = arith.constant 0 : i32
    "tpu.region"() ({
      %run_scoped3A_125 = tpu.sem_alloc : memref<!tpu.dma_semaphore, #tpu.memory_space<semaphore_mem>>
      %dma_start3A_126 = arith.constant 0 : i32
      %dma_start3A_127 = arith.constant 0 : i32
      %dma_start3A_128 = tpu.memref_slice %arg7[%run_scoped3A, %dma_start3A_126, %dma_start3A_127] : memref<2x128x128xf32, #tpu.memory_space<vmem>> -> memref<1x128x128xf32, #tpu.memory_space<vmem>>
      %dma_start3A_129 = tpu.memref_squeeze %dma_start3A_128 : memref<1x128x128xf32, #tpu.memory_space<vmem>> -> memref<128x128xf32, #tpu.memory_space<vmem>>
      %dma_start3A_130 = arith.constant 0 : i32
      %dma_start3A_131 = tpu.memref_slice %arg8[%add3A_25, %dma_start3A_130] : memref<10240x128xf32, #tpu.memory_space<vmem_shared>> -> memref<128x128xf32, #tpu.memory_space<vmem_shared>>
      %dma_start3A_132 = arith.constant 0 : i32
      %dma_start3A_133 = tpu.memref_slice %arg8[%add3A_25, %dma_start3A_132] : memref<10240x128xf32, #tpu.memory_space<vmem_shared>> -> memref<128x128xf32, #tpu.memory_space<vmem_shared>>
      %dma_start3A_134 = arith.constant 0 : i32
      %dma_start3A_135 = arith.constant 0 : i32
      %dma_start3A_136 = tpu.memref_slice %arg7[%run_scoped3A, %dma_start3A_134, %dma_start3A_135] : memref<2x128x128xf32, #tpu.memory_space<vmem>> -> memref<1x128x128xf32, #tpu.memory_space<vmem>>
      %dma_start3A_137 = tpu.memref_squeeze %dma_start3A_136 : memref<1x128x128xf32, #tpu.memory_space<vmem>> -> memref<128x128xf32, #tpu.memory_space<vmem>>
      tpu.enqueue_dma source(%dma_start3A_137 : memref<128x128xf32, #tpu.memory_space<vmem>>) target(%dma_start3A_133 : memref<128x128xf32, #tpu.memory_space<vmem_shared>>) target_semaphore(%run_scoped3A_125 : memref<!tpu.dma_semaphore, #tpu.memory_space<semaphore_mem>>)
      %dma_wait3A_138 = arith.constant 0 : i32
      %dma_wait3A_139 = arith.constant 0 : i32
      %dma_wait3A_140 = tpu.memref_slice %arg7[%run_scoped3A, %dma_wait3A_138, %dma_wait3A_139] : memref<2x128x128xf32, #tpu.memory_space<vmem>> -> memref<1x128x128xf32, #tpu.memory_space<vmem>>
      %dma_wait3A_141 = tpu.memref_squeeze %dma_wait3A_140 : memref<1x128x128xf32, #tpu.memory_space<vmem>> -> memref<128x128xf32, #tpu.memory_space<vmem>>
      %dma_wait3A_142 = arith.constant 0 : i32
      %dma_wait3A_143 = tpu.memref_slice %arg8[%add3A_25, %dma_wait3A_142] : memref<10240x128xf32, #tpu.memory_space<vmem_shared>> -> memref<128x128xf32, #tpu.memory_space<vmem_shared>>
      %dma_wait3A_144 = arith.constant 0 : i32
      %dma_wait3A_145 = tpu.memref_slice %arg8[%add3A_25, %dma_wait3A_144] : memref<10240x128xf32, #tpu.memory_space<vmem_shared>> -> memref<128x128xf32, #tpu.memory_space<vmem_shared>>
      %dma_wait3A_146 = arith.constant 0 : i32
      %dma_wait3A_147 = arith.constant 0 : i32
      %dma_wait3A_148 = tpu.memref_slice %arg7[%run_scoped3A, %dma_wait3A_146, %dma_wait3A_147] : memref<2x128x128xf32, #tpu.memory_space<vmem>> -> memref<1x128x128xf32, #tpu.memory_space<vmem>>
      %dma_wait3A_149 = tpu.memref_squeeze %dma_wait3A_148 : memref<1x128x128xf32, #tpu.memory_space<vmem>> -> memref<128x128xf32, #tpu.memory_space<vmem>>
      tpu.wait_dma2 semaphore(%run_scoped3A_125 : memref<!tpu.dma_semaphore, #tpu.memory_space<semaphore_mem>>) src(%dma_wait3A_149 : memref<128x128xf32, #tpu.memory_space<vmem>>) dst(%dma_wait3A_145 : memref<128x128xf32, #tpu.memory_space<vmem_shared>>)
      tpu.yield
    }) : () -> ()
    %add3A_26 = arith.constant 128 : i32
    %add3A_27 = arith.addi %mul3A_23, %add3A_26 : i32
    %run_scoped3A_28 = arith.constant 0 : i32
    "tpu.region"() ({
      %run_scoped3A_125 = tpu.sem_alloc : memref<!tpu.dma_semaphore, #tpu.memory_space<semaphore_mem>>
      %dma_start3A_126 = arith.constant 0 : i32
      %dma_start3A_127 = arith.constant 0 : i32
      %dma_start3A_128 = tpu.memref_slice %arg7[%run_scoped3A_28, %dma_start3A_126, %dma_start3A_127] : memref<2x128x128xf32, #tpu.memory_space<vmem>> -> memref<1x128x128xf32, #tpu.memory_space<vmem>>
      %dma_start3A_129 = tpu.memref_squeeze %dma_start3A_128 : memref<1x128x128xf32, #tpu.memory_space<vmem>> -> memref<128x128xf32, #tpu.memory_space<vmem>>
      %dma_start3A_130 = arith.constant 0 : i32
      %dma_start3A_131 = tpu.memref_slice %arg8[%add3A_27, %dma_start3A_130] : memref<10240x128xf32, #tpu.memory_space<vmem_shared>> -> memref<128x128xf32, #tpu.memory_space<vmem_shared>>
      %dma_start3A_132 = arith.constant 0 : i32
      %dma_start3A_133 = tpu.memref_slice %arg8[%add3A_27, %dma_start3A_132] : memref<10240x128xf32, #tpu.memory_space<vmem_shared>> -> memref<128x128xf32, #tpu.memory_space<vmem_shared>>
      %dma_start3A_134 = arith.constant 0 : i32
      %dma_start3A_135 = arith.constant 0 : i32
      %dma_start3A_136 = tpu.memref_slice %arg7[%run_scoped3A_28, %dma_start3A_134, %dma_start3A_135] : memref<2x128x128xf32, #tpu.memory_space<vmem>> -> memref<1x128x128xf32, #tpu.memory_space<vmem>>
      %dma_start3A_137 = tpu.memref_squeeze %dma_start3A_136 : memref<1x128x128xf32, #tpu.memory_space<vmem>> -> memref<128x128xf32, #tpu.memory_space<vmem>>
      tpu.enqueue_dma source(%dma_start3A_137 : memref<128x128xf32, #tpu.memory_space<vmem>>) target(%dma_start3A_133 : memref<128x128xf32, #tpu.memory_space<vmem_shared>>) target_semaphore(%run_scoped3A_125 : memref<!tpu.dma_semaphore, #tpu.memory_space<semaphore_mem>>)
      %dma_wait3A_138 = arith.constant 0 : i32
      %dma_wait3A_139 = arith.constant 0 : i32
      %dma_wait3A_140 = tpu.memref_slice %arg7[%run_scoped3A_28, %dma_wait3A_138, %dma_wait3A_139] : memref<2x128x128xf32, #tpu.memory_space<vmem>> -> memref<1x128x128xf32, #tpu.memory_space<vmem>>
      %dma_wait3A_141 = tpu.memref_squeeze %dma_wait3A_140 : memref<1x128x128xf32, #tpu.memory_space<vmem>> -> memref<128x128xf32, #tpu.memory_space<vmem>>
      %dma_wait3A_142 = arith.constant 0 : i32
      %dma_wait3A_143 = tpu.memref_slice %arg8[%add3A_27, %dma_wait3A_142] : memref<10240x128xf32, #tpu.memory_space<vmem_shared>> -> memref<128x128xf32, #tpu.memory_space<vmem_shared>>
      %dma_wait3A_144 = arith.constant 0 : i32
      %dma_wait3A_145 = tpu.memref_slice %arg8[%add3A_27, %dma_wait3A_144] : memref<10240x128xf32, #tpu.memory_space<vmem_shared>> -> memref<128x128xf32, #tpu.memory_space<vmem_shared>>
      %dma_wait3A_146 = arith.constant 0 : i32
      %dma_wait3A_147 = arith.constant 0 : i32
      %dma_wait3A_148 = tpu.memref_slice %arg7[%run_scoped3A_28, %dma_wait3A_146, %dma_wait3A_147] : memref<2x128x128xf32, #tpu.memory_space<vmem>> -> memref<1x128x128xf32, #tpu.memory_space<vmem>>
      %dma_wait3A_149 = tpu.memref_squeeze %dma_wait3A_148 : memref<1x128x128xf32, #tpu.memory_space<vmem>> -> memref<128x128xf32, #tpu.memory_space<vmem>>
      tpu.wait_dma2 semaphore(%run_scoped3A_125 : memref<!tpu.dma_semaphore, #tpu.memory_space<semaphore_mem>>) src(%dma_wait3A_149 : memref<128x128xf32, #tpu.memory_space<vmem>>) dst(%dma_wait3A_145 : memref<128x128xf32, #tpu.memory_space<vmem_shared>>)
      tpu.yield
    }) : () -> ()
    %add3A_29 = arith.constant 256 : i32
    %add3A_30 = arith.addi %mul3A_23, %add3A_29 : i32
    %run_scoped3A_31 = arith.constant 0 : i32
    "tpu.region"() ({
      %run_scoped3A_125 = tpu.sem_alloc : memref<!tpu.dma_semaphore, #tpu.memory_space<semaphore_mem>>
      %dma_start3A_126 = arith.constant 0 : i32
      %dma_start3A_127 = arith.constant 0 : i32
      %dma_start3A_128 = tpu.memref_slice %arg7[%run_scoped3A_31, %dma_start3A_126, %dma_start3A_127] : memref<2x128x128xf32, #tpu.memory_space<vmem>> -> memref<1x128x128xf32, #tpu.memory_space<vmem>>
      %dma_start3A_129 = tpu.memref_squeeze %dma_start3A_128 : memref<1x128x128xf32, #tpu.memory_space<vmem>> -> memref<128x128xf32, #tpu.memory_space<vmem>>
      %dma_start3A_130 = arith.constant 0 : i32
      %dma_start3A_131 = tpu.memref_slice %arg8[%add3A_30, %dma_start3A_130] : memref<10240x128xf32, #tpu.memory_space<vmem_shared>> -> memref<128x128xf32, #tpu.memory_space<vmem_shared>>
      %dma_start3A_132 = arith.constant 0 : i32
      %dma_start3A_133 = tpu.memref_slice %arg8[%add3A_30, %dma_start3A_132] : memref<10240x128xf32, #tpu.memory_space<vmem_shared>> -> memref<128x128xf32, #tpu.memory_space<vmem_shared>>
      %dma_start3A_134 = arith.constant 0 : i32
      %dma_start3A_135 = arith.constant 0 : i32
      %dma_start3A_136 = tpu.memref_slice %arg7[%run_scoped3A_31, %dma_start3A_134, %dma_start3A_135] : memref<2x128x128xf32, #tpu.memory_space<vmem>> -> memref<1x128x128xf32, #tpu.memory_space<vmem>>
      %dma_start3A_137 = tpu.memref_squeeze %dma_start3A_136 : memref<1x128x128xf32, #tpu.memory_space<vmem>> -> memref<128x128xf32, #tpu.memory_space<vmem>>
      tpu.enqueue_dma source(%dma_start3A_137 : memref<128x128xf32, #tpu.memory_space<vmem>>) target(%dma_start3A_133 : memref<128x128xf32, #tpu.memory_space<vmem_shared>>) target_semaphore(%run_scoped3A_125 : memref<!tpu.dma_semaphore, #tpu.memory_space<semaphore_mem>>)
      %dma_wait3A_138 = arith.constant 0 : i32
      %dma_wait3A_139 = arith.constant 0 : i32
      %dma_wait3A_140 = tpu.memref_slice %arg7[%run_scoped3A_31, %dma_wait3A_138, %dma_wait3A_139] : memref<2x128x128xf32, #tpu.memory_space<vmem>> -> memref<1x128x128xf32, #tpu.memory_space<vmem>>
      %dma_wait3A_141 = tpu.memref_squeeze %dma_wait3A_140 : memref<1x128x128xf32, #tpu.memory_space<vmem>> -> memref<128x128xf32, #tpu.memory_space<vmem>>
      %dma_wait3A_142 = arith.constant 0 : i32
      %dma_wait3A_143 = tpu.memref_slice %arg8[%add3A_30, %dma_wait3A_142] : memref<10240x128xf32, #tpu.memory_space<vmem_shared>> -> memref<128x128xf32, #tpu.memory_space<vmem_shared>>
      %dma_wait3A_144 = arith.constant 0 : i32
      %dma_wait3A_145 = tpu.memref_slice %arg8[%add3A_30, %dma_wait3A_144] : memref<10240x128xf32, #tpu.memory_space<vmem_shared>> -> memref<128x128xf32, #tpu.memory_space<vmem_shared>>
      %dma_wait3A_146 = arith.constant 0 : i32
      %dma_wait3A_147 = arith.constant 0 : i32
      %dma_wait3A_148 = tpu.memref_slice %arg7[%run_scoped3A_31, %dma_wait3A_146, %dma_wait3A_147] : memref<2x128x128xf32, #tpu.memory_space<vmem>> -> memref<1x128x128xf32, #tpu.memory_space<vmem>>
      %dma_wait3A_149 = tpu.memref_squeeze %dma_wait3A_148 : memref<1x128x128xf32, #tpu.memory_space<vmem>> -> memref<128x128xf32, #tpu.memory_space<vmem>>
      tpu.wait_dma2 semaphore(%run_scoped3A_125 : memref<!tpu.dma_semaphore, #tpu.memory_space<semaphore_mem>>) src(%dma_wait3A_149 : memref<128x128xf32, #tpu.memory_space<vmem>>) dst(%dma_wait3A_145 : memref<128x128xf32, #tpu.memory_space<vmem_shared>>)
      tpu.yield
    }) : () -> ()
    %add3A_32 = arith.constant 384 : i32
    %add3A_33 = arith.addi %mul3A_23, %add3A_32 : i32
    %run_scoped3A_34 = arith.constant 0 : i32
    "tpu.region"() ({
      %run_scoped3A_125 = tpu.sem_alloc : memref<!tpu.dma_semaphore, #tpu.memory_space<semaphore_mem>>
      %dma_start3A_126 = arith.constant 0 : i32
      %dma_start3A_127 = arith.constant 0 : i32
      %dma_start3A_128 = tpu.memref_slice %arg7[%run_scoped3A_34, %dma_start3A_126, %dma_start3A_127] : memref<2x128x128xf32, #tpu.memory_space<vmem>> -> memref<1x128x128xf32, #tpu.memory_space<vmem>>
      %dma_start3A_129 = tpu.memref_squeeze %dma_start3A_128 : memref<1x128x128xf32, #tpu.memory_space<vmem>> -> memref<128x128xf32, #tpu.memory_space<vmem>>
      %dma_start3A_130 = arith.constant 0 : i32
      %dma_start3A_131 = tpu.memref_slice %arg8[%add3A_33, %dma_start3A_130] : memref<10240x128xf32, #tpu.memory_space<vmem_shared>> -> memref<128x128xf32, #tpu.memory_space<vmem_shared>>
      %dma_start3A_132 = arith.constant 0 : i32
      %dma_start3A_133 = tpu.memref_slice %arg8[%add3A_33, %dma_start3A_132] : memref<10240x128xf32, #tpu.memory_space<vmem_shared>> -> memref<128x128xf32, #tpu.memory_space<vmem_shared>>
      %dma_start3A_134 = arith.constant 0 : i32
      %dma_start3A_135 = arith.constant 0 : i32
      %dma_start3A_136 = tpu.memref_slice %arg7[%run_scoped3A_34, %dma_start3A_134, %dma_start3A_135] : memref<2x128x128xf32, #tpu.memory_space<vmem>> -> memref<1x128x128xf32, #tpu.memory_space<vmem>>
      %dma_start3A_137 = tpu.memref_squeeze %dma_start3A_136 : memref<1x128x128xf32, #tpu.memory_space<vmem>> -> memref<128x128xf32, #tpu.memory_space<vmem>>
      tpu.enqueue_dma source(%dma_start3A_137 : memref<128x128xf32, #tpu.memory_space<vmem>>) target(%dma_start3A_133 : memref<128x128xf32, #tpu.memory_space<vmem_shared>>) target_semaphore(%run_scoped3A_125 : memref<!tpu.dma_semaphore, #tpu.memory_space<semaphore_mem>>)
      %dma_wait3A_138 = arith.constant 0 : i32
      %dma_wait3A_139 = arith.constant 0 : i32
      %dma_wait3A_140 = tpu.memref_slice %arg7[%run_scoped3A_34, %dma_wait3A_138, %dma_wait3A_139] : memref<2x128x128xf32, #tpu.memory_space<vmem>> -> memref<1x128x128xf32, #tpu.memory_space<vmem>>
      %dma_wait3A_141 = tpu.memref_squeeze %dma_wait3A_140 : memref<1x128x128xf32, #tpu.memory_space<vmem>> -> memref<128x128xf32, #tpu.memory_space<vmem>>
      %dma_wait3A_142 = arith.constant 0 : i32
      %dma_wait3A_143 = tpu.memref_slice %arg8[%add3A_33, %dma_wait3A_142] : memref<10240x128xf32, #tpu.memory_space<vmem_shared>> -> memref<128x128xf32, #tpu.memory_space<vmem_shared>>
      %dma_wait3A_144 = arith.constant 0 : i32
      %dma_wait3A_145 = tpu.memref_slice %arg8[%add3A_33, %dma_wait3A_144] : memref<10240x128xf32, #tpu.memory_space<vmem_shared>> -> memref<128x128xf32, #tpu.memory_space<vmem_shared>>
      %dma_wait3A_146 = arith.constant 0 : i32
      %dma_wait3A_147 = arith.constant 0 : i32
      %dma_wait3A_148 = tpu.memref_slice %arg7[%run_scoped3A_34, %dma_wait3A_146, %dma_wait3A_147] : memref<2x128x128xf32, #tpu.memory_space<vmem>> -> memref<1x128x128xf32, #tpu.memory_space<vmem>>
      %dma_wait3A_149 = tpu.memref_squeeze %dma_wait3A_148 : memref<1x128x128xf32, #tpu.memory_space<vmem>> -> memref<128x128xf32, #tpu.memory_space<vmem>>
      tpu.wait_dma2 semaphore(%run_scoped3A_125 : memref<!tpu.dma_semaphore, #tpu.memory_space<semaphore_mem>>) src(%dma_wait3A_149 : memref<128x128xf32, #tpu.memory_space<vmem>>) dst(%dma_wait3A_145 : memref<128x128xf32, #tpu.memory_space<vmem_shared>>)
      tpu.yield
    }) : () -> ()
    %add3A_35 = arith.constant 512 : i32
    %add3A_36 = arith.addi %mul3A_23, %add3A_35 : i32
    %run_scoped3A_37 = arith.constant 0 : i32
    "tpu.region"() ({
      %run_scoped3A_125 = tpu.sem_alloc : memref<!tpu.dma_semaphore, #tpu.memory_space<semaphore_mem>>
      %dma_start3A_126 = arith.constant 0 : i32
      %dma_start3A_127 = arith.constant 0 : i32
      %dma_start3A_128 = tpu.memref_slice %arg7[%run_scoped3A_37, %dma_start3A_126, %dma_start3A_127] : memref<2x128x128xf32, #tpu.memory_space<vmem>> -> memref<1x128x128xf32, #tpu.memory_space<vmem>>
      %dma_start3A_129 = tpu.memref_squeeze %dma_start3A_128 : memref<1x128x128xf32, #tpu.memory_space<vmem>> -> memref<128x128xf32, #tpu.memory_space<vmem>>
      %dma_start3A_130 = arith.constant 0 : i32
      %dma_start3A_131 = tpu.memref_slice %arg8[%add3A_36, %dma_start3A_130] : memref<10240x128xf32, #tpu.memory_space<vmem_shared>> -> memref<128x128xf32, #tpu.memory_space<vmem_shared>>
      %dma_start3A_132 = arith.constant 0 : i32
      %dma_start3A_133 = tpu.memref_slice %arg8[%add3A_36, %dma_start3A_132] : memref<10240x128xf32, #tpu.memory_space<vmem_shared>> -> memref<128x128xf32, #tpu.memory_space<vmem_shared>>
      %dma_start3A_134 = arith.constant 0 : i32
      %dma_start3A_135 = arith.constant 0 : i32
      %dma_start3A_136 = tpu.memref_slice %arg7[%run_scoped3A_37, %dma_start3A_134, %dma_start3A_135] : memref<2x128x128xf32, #tpu.memory_space<vmem>> -> memref<1x128x128xf32, #tpu.memory_space<vmem>>
      %dma_start3A_137 = tpu.memref_squeeze %dma_start3A_136 : memref<1x128x128xf32, #tpu.memory_space<vmem>> -> memref<128x128xf32, #tpu.memory_space<vmem>>
      tpu.enqueue_dma source(%dma_start3A_137 : memref<128x128xf32, #tpu.memory_space<vmem>>) target(%dma_start3A_133 : memref<128x128xf32, #tpu.memory_space<vmem_shared>>) target_semaphore(%run_scoped3A_125 : memref<!tpu.dma_semaphore, #tpu.memory_space<semaphore_mem>>)
      %dma_wait3A_138 = arith.constant 0 : i32
      %dma_wait3A_139 = arith.constant 0 : i32
      %dma_wait3A_140 = tpu.memref_slice %arg7[%run_scoped3A_37, %dma_wait3A_138, %dma_wait3A_139] : memref<2x128x128xf32, #tpu.memory_space<vmem>> -> memref<1x128x128xf32, #tpu.memory_space<vmem>>
      %dma_wait3A_141 = tpu.memref_squeeze %dma_wait3A_140 : memref<1x128x128xf32, #tpu.memory_space<vmem>> -> memref<128x128xf32, #tpu.memory_space<vmem>>
      %dma_wait3A_142 = arith.constant 0 : i32
      %dma_wait3A_143 = tpu.memref_slice %arg8[%add3A_36, %dma_wait3A_142] : memref<10240x128xf32, #tpu.memory_space<vmem_shared>> -> memref<128x128xf32, #tpu.memory_space<vmem_shared>>
      %dma_wait3A_144 = arith.constant 0 : i32
      %dma_wait3A_145 = tpu.memref_slice %arg8[%add3A_36, %dma_wait3A_144] : memref<10240x128xf32, #tpu.memory_space<vmem_shared>> -> memref<128x128xf32, #tpu.memory_space<vmem_shared>>
      %dma_wait3A_146 = arith.constant 0 : i32
      %dma_wait3A_147 = arith.constant 0 : i32
      %dma_wait3A_148 = tpu.memref_slice %arg7[%run_scoped3A_37, %dma_wait3A_146, %dma_wait3A_147] : memref<2x128x128xf32, #tpu.memory_space<vmem>> -> memref<1x128x128xf32, #tpu.memory_space<vmem>>
      %dma_wait3A_149 = tpu.memref_squeeze %dma_wait3A_148 : memref<1x128x128xf32, #tpu.memory_space<vmem>> -> memref<128x128xf32, #tpu.memory_space<vmem>>
      tpu.wait_dma2 semaphore(%run_scoped3A_125 : memref<!tpu.dma_semaphore, #tpu.memory_space<semaphore_mem>>) src(%dma_wait3A_149 : memref<128x128xf32, #tpu.memory_space<vmem>>) dst(%dma_wait3A_145 : memref<128x128xf32, #tpu.memory_space<vmem_shared>>)
      tpu.yield
    }) : () -> ()
    %dma_wait3A = arith.constant 0 : i32
    %dma_wait3A_38 = arith.constant 0 : i32
    %dma_wait3A_39 = arith.constant 0 : i32
    %dma_wait3A_40 = tpu.memref_slice %arg3[%dma_wait3A, %add3A, %dma_wait3A_38, %dma_wait3A_39] : memref<2x32x80x128xi32, #tpu.memory_space<hbm>> -> memref<1x1x40x128xi32, #tpu.memory_space<hbm>>
    %dma_wait3A_41 = tpu.memref_squeeze %dma_wait3A_40 : memref<1x1x40x128xi32, #tpu.memory_space<hbm>> -> memref<40x128xi32, #tpu.memory_space<hbm>>
    %dma_wait3A_42 = arith.constant 0 : i32
    %dma_wait3A_43 = arith.constant 0 : i32
    %dma_wait3A_44 = tpu.memref_slice %arg3[%dma_wait3A, %add3A, %dma_wait3A_42, %dma_wait3A_43] : memref<2x32x80x128xi32, #tpu.memory_space<hbm>> -> memref<1x1x40x128xi32, #tpu.memory_space<hbm>>
    %dma_wait3A_45 = tpu.memref_squeeze %dma_wait3A_44 : memref<1x1x40x128xi32, #tpu.memory_space<hbm>> -> memref<40x128xi32, #tpu.memory_space<hbm>>
    tpu.wait_dma2 semaphore(%arg9 : memref<!tpu.dma_semaphore, #tpu.memory_space<semaphore_mem>>) src(%dma_wait3A_45 : memref<40x128xi32, #tpu.memory_space<hbm>>) dst(%arg5 : memref<40x128xi32, #tpu.memory_space<vmem>>)
    %dma_wait3A_46 = arith.constant 1 : i32
    %dma_wait3A_47 = arith.constant 0 : i32
    %dma_wait3A_48 = arith.constant 0 : i32
    %dma_wait3A_49 = tpu.memref_slice %arg3[%dma_wait3A_46, %add3A, %dma_wait3A_47, %dma_wait3A_48] : memref<2x32x80x128xi32, #tpu.memory_space<hbm>> -> memref<1x1x40x128xi32, #tpu.memory_space<hbm>>
    %dma_wait3A_50 = tpu.memref_squeeze %dma_wait3A_49 : memref<1x1x40x128xi32, #tpu.memory_space<hbm>> -> memref<40x128xi32, #tpu.memory_space<hbm>>
    %dma_wait3A_51 = arith.constant 0 : i32
    %dma_wait3A_52 = arith.constant 0 : i32
    %dma_wait3A_53 = tpu.memref_slice %arg3[%dma_wait3A_46, %add3A, %dma_wait3A_51, %dma_wait3A_52] : memref<2x32x80x128xi32, #tpu.memory_space<hbm>> -> memref<1x1x40x128xi32, #tpu.memory_space<hbm>>
    %dma_wait3A_54 = tpu.memref_squeeze %dma_wait3A_53 : memref<1x1x40x128xi32, #tpu.memory_space<hbm>> -> memref<40x128xi32, #tpu.memory_space<hbm>>
    tpu.wait_dma2 semaphore(%arg10 : memref<!tpu.dma_semaphore, #tpu.memory_space<semaphore_mem>>) src(%dma_wait3A_54 : memref<40x128xi32, #tpu.memory_space<hbm>>) dst(%arg6 : memref<40x128xi32, #tpu.memory_space<vmem>>)
    %barrier3A = arith.constant 0 : index
    tpu.barrier barrier_id(%barrier3A)
    %dma_start3A_55 = arith.constant 0 : i32
    %dma_start3A_56 = arith.constant 0 : i32
    %dma_start3A_57 = arith.constant 0 : i32
    %dma_start3A_58 = arith.constant 0 : i32
    %dma_start3A_59 = tpu.memref_slice %arg7[%dma_start3A_56, %dma_start3A_57, %dma_start3A_58] : memref<2x128x128xf32, #tpu.memory_space<vmem>> -> memref<1x128x128xf32, #tpu.memory_space<vmem>>
    %dma_start3A_60 = tpu.memref_squeeze %dma_start3A_59 : memref<1x128x128xf32, #tpu.memory_space<vmem>> -> memref<128x128xf32, #tpu.memory_space<vmem>>
    %dma_start3A_61 = arith.constant 0 : i32
    %dma_start3A_62 = tpu.memref_slice %arg5[%dma_start3A_55, %dma_start3A_61] : memref<40x128xi32, #tpu.memory_space<vmem>> -> memref<1x128xi32, #tpu.memory_space<vmem>>
    %dma_start3A_63 = tpu.memref_squeeze %dma_start3A_62 : memref<1x128xi32, #tpu.memory_space<vmem>> -> memref<128xi32, #tpu.memory_space<vmem>>
    %dma_start3A_64 = arith.constant 0 : i32
    %dma_start3A_65 = arith.constant 0 : i32
    %dma_start3A_66 = tpu.memref_slice %arg2[%dma_start3A_64, %dma_start3A_65] : memref<10000x128xf32, #tpu.memory_space<hbm>> -> memref<10000x128xf32, #tpu.memory_space<hbm>>
    tpu.enqueue_indirect_dma source(%dma_start3A_66 : memref<10000x128xf32, #tpu.memory_space<hbm>>) target(%dma_start3A_60 : memref<128x128xf32, #tpu.memory_space<vmem>>) offsets(%dma_start3A_63 : memref<128xi32, #tpu.memory_space<vmem>>) semaphore(%arg9 : memref<!tpu.dma_semaphore, #tpu.memory_space<semaphore_mem>>)
    %scan3A_67 = arith.constant 0 : i32
    %scan3A_68 = arith.constant 20 : i32
    %scan3A_69 = arith.addi %scan3A_67, %scan3A_68 : i32
    %scan3A_70 = arith.constant 1 : i32
    scf.for %scan3A_125 = %scan3A_67 to %scan3A_69 step %scan3A_70  : i32 {
      %mul3A_126 = arith.constant 2 : i32
      %mul3A_127 = arith.muli %scan3A_125, %mul3A_126 : i32
      %add3A_128 = arith.constant 0 : i32
      %add3A_129 = arith.addi %add3A_128, %mul3A_127 : i32
      %add3A_130 = arith.constant 0 : i32
      %add3A_131 = arith.addi %add3A_129, %add3A_130 : i32
      %ge3A = arith.constant 1 : i32
      %ge3A_132 = arith.cmpi sge, %add3A_131, %ge3A : i32
      %convert_element_type3A = arith.extui %ge3A_132 : i1 to i32
      %cond3A = arith.constant 0 : i32
      %cond3A_133 = arith.cmpi ne, %convert_element_type3A, %cond3A : i32
      scf.if %cond3A_133 {
        %dma_wait3A_206 = arith.constant 1 : i32
        %dma_wait3A_207 = arith.constant 0 : i32
        %dma_wait3A_208 = arith.constant 0 : i32
        %dma_wait3A_209 = tpu.memref_slice %arg7[%dma_wait3A_206, %dma_wait3A_207, %dma_wait3A_208] : memref<2x128x128xf32, #tpu.memory_space<vmem>> -> memref<1x128x128xf32, #tpu.memory_space<vmem>>
        %dma_wait3A_210 = tpu.memref_squeeze %dma_wait3A_209 : memref<1x128x128xf32, #tpu.memory_space<vmem>> -> memref<128x128xf32, #tpu.memory_space<vmem>>
        %dma_wait3A_211 = arith.constant 0 : i32
        %dma_wait3A_212 = arith.constant 0 : i32
        %dma_wait3A_213 = tpu.memref_slice %arg2[%dma_wait3A_211, %dma_wait3A_212] : memref<10000x128xf32, #tpu.memory_space<hbm>> -> memref<128x128xf32, #tpu.memory_space<hbm>>
        %dma_wait3A_214 = arith.constant 0 : i32
        %dma_wait3A_215 = arith.constant 0 : i32
        %dma_wait3A_216 = tpu.memref_slice %arg7[%dma_wait3A_206, %dma_wait3A_214, %dma_wait3A_215] : memref<2x128x128xf32, #tpu.memory_space<vmem>> -> memref<1x128x128xf32, #tpu.memory_space<vmem>>
        %dma_wait3A_217 = tpu.memref_squeeze %dma_wait3A_216 : memref<1x128x128xf32, #tpu.memory_space<vmem>> -> memref<128x128xf32, #tpu.memory_space<vmem>>
        %dma_wait3A_218 = arith.constant 0 : i32
        %dma_wait3A_219 = arith.constant 0 : i32
        %dma_wait3A_220 = tpu.memref_slice %arg2[%dma_wait3A_218, %dma_wait3A_219] : memref<10000x128xf32, #tpu.memory_space<hbm>> -> memref<128x128xf32, #tpu.memory_space<hbm>>
        tpu.wait_dma2 semaphore(%arg10 : memref<!tpu.dma_semaphore, #tpu.memory_space<semaphore_mem>>) src(%dma_wait3A_220 : memref<128x128xf32, #tpu.memory_space<hbm>>) dst(%dma_wait3A_217 : memref<128x128xf32, #tpu.memory_space<vmem>>)
      } else {
      }
      %add3A_134 = arith.constant 1 : i32
      %add3A_135 = arith.addi %add3A_131, %add3A_134 : i32
      %lt3A = arith.constant 40 : i32
      %lt3A_136 = arith.cmpi slt, %add3A_135, %lt3A : i32
      %convert_element_type3A_137 = arith.extui %lt3A_136 : i1 to i32
      %cond3A_138 = arith.constant 0 : i32
      %cond3A_139 = arith.cmpi ne, %convert_element_type3A_137, %cond3A_138 : i32
      scf.if %cond3A_139 {
        %add3A_206 = arith.constant 1 : i32
        %add3A_207 = arith.addi %add3A_131, %add3A_206 : i32
        %dma_start3A_208 = arith.constant 1 : i32
        %dma_start3A_209 = arith.constant 0 : i32
        %dma_start3A_210 = arith.constant 0 : i32
        %dma_start3A_211 = tpu.memref_slice %arg7[%dma_start3A_208, %dma_start3A_209, %dma_start3A_210] : memref<2x128x128xf32, #tpu.memory_space<vmem>> -> memref<1x128x128xf32, #tpu.memory_space<vmem>>
        %dma_start3A_212 = tpu.memref_squeeze %dma_start3A_211 : memref<1x128x128xf32, #tpu.memory_space<vmem>> -> memref<128x128xf32, #tpu.memory_space<vmem>>
        %dma_start3A_213 = arith.constant 0 : i32
        %dma_start3A_214 = tpu.memref_slice %arg5[%add3A_207, %dma_start3A_213] : memref<40x128xi32, #tpu.memory_space<vmem>> -> memref<1x128xi32, #tpu.memory_space<vmem>>
        %dma_start3A_215 = tpu.memref_squeeze %dma_start3A_214 : memref<1x128xi32, #tpu.memory_space<vmem>> -> memref<128xi32, #tpu.memory_space<vmem>>
        %dma_start3A_216 = arith.constant 0 : i32
        %dma_start3A_217 = arith.constant 0 : i32
        %dma_start3A_218 = tpu.memref_slice %arg2[%dma_start3A_216, %dma_start3A_217] : memref<10000x128xf32, #tpu.memory_space<hbm>> -> memref<10000x128xf32, #tpu.memory_space<hbm>>
        tpu.enqueue_indirect_dma source(%dma_start3A_218 : memref<10000x128xf32, #tpu.memory_space<hbm>>) target(%dma_start3A_212 : memref<128x128xf32, #tpu.memory_space<vmem>>) offsets(%dma_start3A_215 : memref<128xi32, #tpu.memory_space<vmem>>) semaphore(%arg9 : memref<!tpu.dma_semaphore, #tpu.memory_space<semaphore_mem>>)
      } else {
      }
      %dma_wait3A_140 = arith.constant 0 : i32
      %dma_wait3A_141 = arith.constant 0 : i32
      %dma_wait3A_142 = arith.constant 0 : i32
      %dma_wait3A_143 = tpu.memref_slice %arg7[%dma_wait3A_140, %dma_wait3A_141, %dma_wait3A_142] : memref<2x128x128xf32, #tpu.memory_space<vmem>> -> memref<1x128x128xf32, #tpu.memory_space<vmem>>
      %dma_wait3A_144 = tpu.memref_squeeze %dma_wait3A_143 : memref<1x128x128xf32, #tpu.memory_space<vmem>> -> memref<128x128xf32, #tpu.memory_space<vmem>>
      %dma_wait3A_145 = arith.constant 0 : i32
      %dma_wait3A_146 = arith.constant 0 : i32
      %dma_wait3A_147 = tpu.memref_slice %arg2[%dma_wait3A_145, %dma_wait3A_146] : memref<10000x128xf32, #tpu.memory_space<hbm>> -> memref<128x128xf32, #tpu.memory_space<hbm>>
      %dma_wait3A_148 = arith.constant 0 : i32
      %dma_wait3A_149 = arith.constant 0 : i32
      %dma_wait3A_150 = tpu.memref_slice %arg7[%dma_wait3A_140, %dma_wait3A_148, %dma_wait3A_149] : memref<2x128x128xf32, #tpu.memory_space<vmem>> -> memref<1x128x128xf32, #tpu.memory_space<vmem>>
      %dma_wait3A_151 = tpu.memref_squeeze %dma_wait3A_150 : memref<1x128x128xf32, #tpu.memory_space<vmem>> -> memref<128x128xf32, #tpu.memory_space<vmem>>
      %dma_wait3A_152 = arith.constant 0 : i32
      %dma_wait3A_153 = arith.constant 0 : i32
      %dma_wait3A_154 = tpu.memref_slice %arg2[%dma_wait3A_152, %dma_wait3A_153] : memref<10000x128xf32, #tpu.memory_space<hbm>> -> memref<128x128xf32, #tpu.memory_space<hbm>>
      tpu.wait_dma2 semaphore(%arg9 : memref<!tpu.dma_semaphore, #tpu.memory_space<semaphore_mem>>) src(%dma_wait3A_154 : memref<128x128xf32, #tpu.memory_space<hbm>>) dst(%dma_wait3A_151 : memref<128x128xf32, #tpu.memory_space<vmem>>)
      %dma_start3A_155 = arith.constant 0 : i32
      %dma_start3A_156 = arith.constant 0 : i32
      %dma_start3A_157 = arith.constant 0 : i32
      %dma_start3A_158 = tpu.memref_slice %arg7[%dma_start3A_155, %dma_start3A_156, %dma_start3A_157] : memref<2x128x128xf32, #tpu.memory_space<vmem>> -> memref<1x128x128xf32, #tpu.memory_space<vmem>>
      %dma_start3A_159 = tpu.memref_squeeze %dma_start3A_158 : memref<1x128x128xf32, #tpu.memory_space<vmem>> -> memref<128x128xf32, #tpu.memory_space<vmem>>
      %dma_start3A_160 = arith.constant 0 : i32
      %dma_start3A_161 = tpu.memref_slice %arg6[%add3A_131, %dma_start3A_160] : memref<40x128xi32, #tpu.memory_space<vmem>> -> memref<1x128xi32, #tpu.memory_space<vmem>>
      %dma_start3A_162 = tpu.memref_squeeze %dma_start3A_161 : memref<1x128xi32, #tpu.memory_space<vmem>> -> memref<128xi32, #tpu.memory_space<vmem>>
      %dma_start3A_163 = arith.constant 0 : i32
      %dma_start3A_164 = arith.constant 0 : i32
      %dma_start3A_165 = tpu.memref_slice %arg8[%dma_start3A_163, %dma_start3A_164] : memref<10240x128xf32, #tpu.memory_space<vmem_shared>> -> memref<10240x128xf32, #tpu.memory_space<vmem_shared>>
      tpu.enqueue_indirect_dma source(%dma_start3A_159 : memref<128x128xf32, #tpu.memory_space<vmem>>) target(%dma_start3A_165 : memref<10240x128xf32, #tpu.memory_space<vmem_shared>>) offsets(%dma_start3A_162 : memref<128xi32, #tpu.memory_space<vmem>>) semaphore(%arg10 : memref<!tpu.dma_semaphore, #tpu.memory_space<semaphore_mem>>) {add = true}
      %add3A_166 = arith.constant 1 : i32
      %add3A_167 = arith.addi %add3A_129, %add3A_166 : i32
      %ge3A_168 = arith.constant 1 : i32
      %ge3A_169 = arith.cmpi sge, %add3A_167, %ge3A_168 : i32
      %convert_element_type3A_170 = arith.extui %ge3A_169 : i1 to i32
      %cond3A_171 = arith.constant 0 : i32
      %cond3A_172 = arith.cmpi ne, %convert_element_type3A_170, %cond3A_171 : i32
      scf.if %cond3A_172 {
        %dma_wait3A_206 = arith.constant 0 : i32
        %dma_wait3A_207 = arith.constant 0 : i32
        %dma_wait3A_208 = arith.constant 0 : i32
        %dma_wait3A_209 = tpu.memref_slice %arg7[%dma_wait3A_206, %dma_wait3A_207, %dma_wait3A_208] : memref<2x128x128xf32, #tpu.memory_space<vmem>> -> memref<1x128x128xf32, #tpu.memory_space<vmem>>
        %dma_wait3A_210 = tpu.memref_squeeze %dma_wait3A_209 : memref<1x128x128xf32, #tpu.memory_space<vmem>> -> memref<128x128xf32, #tpu.memory_space<vmem>>
        %dma_wait3A_211 = arith.constant 0 : i32
        %dma_wait3A_212 = arith.constant 0 : i32
        %dma_wait3A_213 = tpu.memref_slice %arg2[%dma_wait3A_211, %dma_wait3A_212] : memref<10000x128xf32, #tpu.memory_space<hbm>> -> memref<128x128xf32, #tpu.memory_space<hbm>>
        %dma_wait3A_214 = arith.constant 0 : i32
        %dma_wait3A_215 = arith.constant 0 : i32
        %dma_wait3A_216 = tpu.memref_slice %arg7[%dma_wait3A_206, %dma_wait3A_214, %dma_wait3A_215] : memref<2x128x128xf32, #tpu.memory_space<vmem>> -> memref<1x128x128xf32, #tpu.memory_space<vmem>>
        %dma_wait3A_217 = tpu.memref_squeeze %dma_wait3A_216 : memref<1x128x128xf32, #tpu.memory_space<vmem>> -> memref<128x128xf32, #tpu.memory_space<vmem>>
        %dma_wait3A_218 = arith.constant 0 : i32
        %dma_wait3A_219 = arith.constant 0 : i32
        %dma_wait3A_220 = tpu.memref_slice %arg2[%dma_wait3A_218, %dma_wait3A_219] : memref<10000x128xf32, #tpu.memory_space<hbm>> -> memref<128x128xf32, #tpu.memory_space<hbm>>
        tpu.wait_dma2 semaphore(%arg10 : memref<!tpu.dma_semaphore, #tpu.memory_space<semaphore_mem>>) src(%dma_wait3A_220 : memref<128x128xf32, #tpu.memory_space<hbm>>) dst(%dma_wait3A_217 : memref<128x128xf32, #tpu.memory_space<vmem>>)
      } else {
      }
      %add3A_173 = arith.constant 1 : i32
      %add3A_174 = arith.addi %add3A_167, %add3A_173 : i32
      %lt3A_175 = arith.constant 40 : i32
      %lt3A_176 = arith.cmpi slt, %add3A_174, %lt3A_175 : i32
      %convert_element_type3A_177 = arith.extui %lt3A_176 : i1 to i32
      %cond3A_178 = arith.constant 0 : i32
      %cond3A_179 = arith.cmpi ne, %convert_element_type3A_177, %cond3A_178 : i32
      scf.if %cond3A_179 {
        %add3A_206 = arith.constant 1 : i32
        %add3A_207 = arith.addi %add3A_167, %add3A_206 : i32
        %dma_start3A_208 = arith.constant 0 : i32
        %dma_start3A_209 = arith.constant 0 : i32
        %dma_start3A_210 = arith.constant 0 : i32
        %dma_start3A_211 = tpu.memref_slice %arg7[%dma_start3A_208, %dma_start3A_209, %dma_start3A_210] : memref<2x128x128xf32, #tpu.memory_space<vmem>> -> memref<1x128x128xf32, #tpu.memory_space<vmem>>
        %dma_start3A_212 = tpu.memref_squeeze %dma_start3A_211 : memref<1x128x128xf32, #tpu.memory_space<vmem>> -> memref<128x128xf32, #tpu.memory_space<vmem>>
        %dma_start3A_213 = arith.constant 0 : i32
        %dma_start3A_214 = tpu.memref_slice %arg5[%add3A_207, %dma_start3A_213] : memref<40x128xi32, #tpu.memory_space<vmem>> -> memref<1x128xi32, #tpu.memory_space<vmem>>
        %dma_start3A_215 = tpu.memref_squeeze %dma_start3A_214 : memref<1x128xi32, #tpu.memory_space<vmem>> -> memref<128xi32, #tpu.memory_space<vmem>>
        %dma_start3A_216 = arith.constant 0 : i32
        %dma_start3A_217 = arith.constant 0 : i32
        %dma_start3A_218 = tpu.memref_slice %arg2[%dma_start3A_216, %dma_start3A_217] : memref<10000x128xf32, #tpu.memory_space<hbm>> -> memref<10000x128xf32, #tpu.memory_space<hbm>>
        tpu.enqueue_indirect_dma source(%dma_start3A_218 : memref<10000x128xf32, #tpu.memory_space<hbm>>) target(%dma_start3A_212 : memref<128x128xf32, #tpu.memory_space<vmem>>) offsets(%dma_start3A_215 : memref<128xi32, #tpu.memory_space<vmem>>) semaphore(%arg9 : memref<!tpu.dma_semaphore, #tpu.memory_space<semaphore_mem>>)
      } else {
      }
      %dma_wait3A_180 = arith.constant 1 : i32
      %dma_wait3A_181 = arith.constant 0 : i32
      %dma_wait3A_182 = arith.constant 0 : i32
      %dma_wait3A_183 = tpu.memref_slice %arg7[%dma_wait3A_180, %dma_wait3A_181, %dma_wait3A_182] : memref<2x128x128xf32, #tpu.memory_space<vmem>> -> memref<1x128x128xf32, #tpu.memory_space<vmem>>
      %dma_wait3A_184 = tpu.memref_squeeze %dma_wait3A_183 : memref<1x128x128xf32, #tpu.memory_space<vmem>> -> memref<128x128xf32, #tpu.memory_space<vmem>>
      %dma_wait3A_185 = arith.constant 0 : i32
      %dma_wait3A_186 = arith.constant 0 : i32
      %dma_wait3A_187 = tpu.memref_slice %arg2[%dma_wait3A_185, %dma_wait3A_186] : memref<10000x128xf32, #tpu.memory_space<hbm>> -> memref<128x128xf32, #tpu.memory_space<hbm>>
      %dma_wait3A_188 = arith.constant 0 : i32
      %dma_wait3A_189 = arith.constant 0 : i32
      %dma_wait3A_190 = tpu.memref_slice %arg7[%dma_wait3A_180, %dma_wait3A_188, %dma_wait3A_189] : memref<2x128x128xf32, #tpu.memory_space<vmem>> -> memref<1x128x128xf32, #tpu.memory_space<vmem>>
      %dma_wait3A_191 = tpu.memref_squeeze %dma_wait3A_190 : memref<1x128x128xf32, #tpu.memory_space<vmem>> -> memref<128x128xf32, #tpu.memory_space<vmem>>
      %dma_wait3A_192 = arith.constant 0 : i32
      %dma_wait3A_193 = arith.constant 0 : i32
      %dma_wait3A_194 = tpu.memref_slice %arg2[%dma_wait3A_192, %dma_wait3A_193] : memref<10000x128xf32, #tpu.memory_space<hbm>> -> memref<128x128xf32, #tpu.memory_space<hbm>>
      tpu.wait_dma2 semaphore(%arg9 : memref<!tpu.dma_semaphore, #tpu.memory_space<semaphore_mem>>) src(%dma_wait3A_194 : memref<128x128xf32, #tpu.memory_space<hbm>>) dst(%dma_wait3A_191 : memref<128x128xf32, #tpu.memory_space<vmem>>)
      %dma_start3A_195 = arith.constant 1 : i32
      %dma_start3A_196 = arith.constant 0 : i32
      %dma_start3A_197 = arith.constant 0 : i32
      %dma_start3A_198 = tpu.memref_slice %arg7[%dma_start3A_195, %dma_start3A_196, %dma_start3A_197] : memref<2x128x128xf32, #tpu.memory_space<vmem>> -> memref<1x128x128xf32, #tpu.memory_space<vmem>>
      %dma_start3A_199 = tpu.memref_squeeze %dma_start3A_198 : memref<1x128x128xf32, #tpu.memory_space<vmem>> -> memref<128x128xf32, #tpu.memory_space<vmem>>
      %dma_start3A_200 = arith.constant 0 : i32
      %dma_start3A_201 = tpu.memref_slice %arg6[%add3A_167, %dma_start3A_200] : memref<40x128xi32, #tpu.memory_space<vmem>> -> memref<1x128xi32, #tpu.memory_space<vmem>>
      %dma_start3A_202 = tpu.memref_squeeze %dma_start3A_201 : memref<1x128xi32, #tpu.memory_space<vmem>> -> memref<128xi32, #tpu.memory_space<vmem>>
      %dma_start3A_203 = arith.constant 0 : i32
      %dma_start3A_204 = arith.constant 0 : i32
      %dma_start3A_205 = tpu.memref_slice %arg8[%dma_start3A_203, %dma_start3A_204] : memref<10240x128xf32, #tpu.memory_space<vmem_shared>> -> memref<10240x128xf32, #tpu.memory_space<vmem_shared>>
      tpu.enqueue_indirect_dma source(%dma_start3A_199 : memref<128x128xf32, #tpu.memory_space<vmem>>) target(%dma_start3A_205 : memref<10240x128xf32, #tpu.memory_space<vmem_shared>>) offsets(%dma_start3A_202 : memref<128xi32, #tpu.memory_space<vmem>>) semaphore(%arg10 : memref<!tpu.dma_semaphore, #tpu.memory_space<semaphore_mem>>) {add = true}
    }
    %scan3A_71 = arith.constant 20 : i32
    %dma_wait3A_72 = arith.constant 1 : i32
    %dma_wait3A_73 = arith.constant 0 : i32
    %dma_wait3A_74 = arith.constant 0 : i32
    %dma_wait3A_75 = tpu.memref_slice %arg7[%dma_wait3A_72, %dma_wait3A_73, %dma_wait3A_74] : memref<2x128x128xf32, #tpu.memory_space<vmem>> -> memref<1x128x128xf32, #tpu.memory_space<vmem>>
    %dma_wait3A_76 = tpu.memref_squeeze %dma_wait3A_75 : memref<1x128x128xf32, #tpu.memory_space<vmem>> -> memref<128x128xf32, #tpu.memory_space<vmem>>
    %dma_wait3A_77 = arith.constant 0 : i32
    %dma_wait3A_78 = arith.constant 0 : i32
    %dma_wait3A_79 = tpu.memref_slice %arg2[%dma_wait3A_77, %dma_wait3A_78] : memref<10000x128xf32, #tpu.memory_space<hbm>> -> memref<128x128xf32, #tpu.memory_space<hbm>>
    %dma_wait3A_80 = arith.constant 0 : i32
    %dma_wait3A_81 = arith.constant 0 : i32
    %dma_wait3A_82 = tpu.memref_slice %arg7[%dma_wait3A_72, %dma_wait3A_80, %dma_wait3A_81] : memref<2x128x128xf32, #tpu.memory_space<vmem>> -> memref<1x128x128xf32, #tpu.memory_space<vmem>>
    %dma_wait3A_83 = tpu.memref_squeeze %dma_wait3A_82 : memref<1x128x128xf32, #tpu.memory_space<vmem>> -> memref<128x128xf32, #tpu.memory_space<vmem>>
    %dma_wait3A_84 = arith.constant 0 : i32
    %dma_wait3A_85 = arith.constant 0 : i32
    %dma_wait3A_86 = tpu.memref_slice %arg2[%dma_wait3A_84, %dma_wait3A_85] : memref<10000x128xf32, #tpu.memory_space<hbm>> -> memref<128x128xf32, #tpu.memory_space<hbm>>
    tpu.wait_dma2 semaphore(%arg10 : memref<!tpu.dma_semaphore, #tpu.memory_space<semaphore_mem>>) src(%dma_wait3A_86 : memref<128x128xf32, #tpu.memory_space<hbm>>) dst(%dma_wait3A_83 : memref<128x128xf32, #tpu.memory_space<vmem>>)
    %run_scoped3A_87 = arith.constant 0 : i32
    "tpu.region"() ({
      %run_scoped3A_125 = tpu.sem_alloc : memref<!tpu.dma_semaphore, #tpu.memory_space<semaphore_mem>>
      %dma_start3A_126 = arith.constant 40 : i32
      %dma_start3A_127 = arith.constant 0 : i32
      %dma_start3A_128 = tpu.memref_slice %arg3[%run_scoped3A_87, %add3A, %dma_start3A_126, %dma_start3A_127] : memref<2x32x80x128xi32, #tpu.memory_space<hbm>> -> memref<1x1x40x128xi32, #tpu.memory_space<hbm>>
      %dma_start3A_129 = tpu.memref_squeeze %dma_start3A_128 : memref<1x1x40x128xi32, #tpu.memory_space<hbm>> -> memref<40x128xi32, #tpu.memory_space<hbm>>
      %dma_start3A_130 = arith.constant 40 : i32
      %dma_start3A_131 = arith.constant 0 : i32
      %dma_start3A_132 = tpu.memref_slice %arg3[%run_scoped3A_87, %add3A, %dma_start3A_130, %dma_start3A_131] : memref<2x32x80x128xi32, #tpu.memory_space<hbm>> -> memref<1x1x40x128xi32, #tpu.memory_space<hbm>>
      %dma_start3A_133 = tpu.memref_squeeze %dma_start3A_132 : memref<1x1x40x128xi32, #tpu.memory_space<hbm>> -> memref<40x128xi32, #tpu.memory_space<hbm>>
      tpu.enqueue_dma source(%dma_start3A_133 : memref<40x128xi32, #tpu.memory_space<hbm>>) target(%arg5 : memref<40x128xi32, #tpu.memory_space<vmem>>) target_semaphore(%run_scoped3A_125 : memref<!tpu.dma_semaphore, #tpu.memory_space<semaphore_mem>>)
      %dma_wait3A_134 = arith.constant 40 : i32
      %dma_wait3A_135 = arith.constant 0 : i32
      %dma_wait3A_136 = tpu.memref_slice %arg3[%run_scoped3A_87, %add3A, %dma_wait3A_134, %dma_wait3A_135] : memref<2x32x80x128xi32, #tpu.memory_space<hbm>> -> memref<1x1x40x128xi32, #tpu.memory_space<hbm>>
      %dma_wait3A_137 = tpu.memref_squeeze %dma_wait3A_136 : memref<1x1x40x128xi32, #tpu.memory_space<hbm>> -> memref<40x128xi32, #tpu.memory_space<hbm>>
      %dma_wait3A_138 = arith.constant 40 : i32
      %dma_wait3A_139 = arith.constant 0 : i32
      %dma_wait3A_140 = tpu.memref_slice %arg3[%run_scoped3A_87, %add3A, %dma_wait3A_138, %dma_wait3A_139] : memref<2x32x80x128xi32, #tpu.memory_space<hbm>> -> memref<1x1x40x128xi32, #tpu.memory_space<hbm>>
      %dma_wait3A_141 = tpu.memref_squeeze %dma_wait3A_140 : memref<1x1x40x128xi32, #tpu.memory_space<hbm>> -> memref<40x128xi32, #tpu.memory_space<hbm>>
      tpu.wait_dma2 semaphore(%run_scoped3A_125 : memref<!tpu.dma_semaphore, #tpu.memory_space<semaphore_mem>>) src(%dma_wait3A_141 : memref<40x128xi32, #tpu.memory_space<hbm>>) dst(%arg5 : memref<40x128xi32, #tpu.memory_space<vmem>>)
      tpu.yield
    }) : () -> ()
    %run_scoped3A_88 = arith.constant 1 : i32
    "tpu.region"() ({
      %run_scoped3A_125 = tpu.sem_alloc : memref<!tpu.dma_semaphore, #tpu.memory_space<semaphore_mem>>
      %dma_start3A_126 = arith.constant 40 : i32
      %dma_start3A_127 = arith.constant 0 : i32
      %dma_start3A_128 = tpu.memref_slice %arg3[%run_scoped3A_88, %add3A, %dma_start3A_126, %dma_start3A_127] : memref<2x32x80x128xi32, #tpu.memory_space<hbm>> -> memref<1x1x40x128xi32, #tpu.memory_space<hbm>>
      %dma_start3A_129 = tpu.memref_squeeze %dma_start3A_128 : memref<1x1x40x128xi32, #tpu.memory_space<hbm>> -> memref<40x128xi32, #tpu.memory_space<hbm>>
      %dma_start3A_130 = arith.constant 40 : i32
      %dma_start3A_131 = arith.constant 0 : i32
      %dma_start3A_132 = tpu.memref_slice %arg3[%run_scoped3A_88, %add3A, %dma_start3A_130, %dma_start3A_131] : memref<2x32x80x128xi32, #tpu.memory_space<hbm>> -> memref<1x1x40x128xi32, #tpu.memory_space<hbm>>
      %dma_start3A_133 = tpu.memref_squeeze %dma_start3A_132 : memref<1x1x40x128xi32, #tpu.memory_space<hbm>> -> memref<40x128xi32, #tpu.memory_space<hbm>>
      tpu.enqueue_dma source(%dma_start3A_133 : memref<40x128xi32, #tpu.memory_space<hbm>>) target(%arg6 : memref<40x128xi32, #tpu.memory_space<vmem>>) target_semaphore(%run_scoped3A_125 : memref<!tpu.dma_semaphore, #tpu.memory_space<semaphore_mem>>)
      %dma_wait3A_134 = arith.constant 40 : i32
      %dma_wait3A_135 = arith.constant 0 : i32
      %dma_wait3A_136 = tpu.memref_slice %arg3[%run_scoped3A_88, %add3A, %dma_wait3A_134, %dma_wait3A_135] : memref<2x32x80x128xi32, #tpu.memory_space<hbm>> -> memref<1x1x40x128xi32, #tpu.memory_space<hbm>>
      %dma_wait3A_137 = tpu.memref_squeeze %dma_wait3A_136 : memref<1x1x40x128xi32, #tpu.memory_space<hbm>> -> memref<40x128xi32, #tpu.memory_space<hbm>>
      %dma_wait3A_138 = arith.constant 40 : i32
      %dma_wait3A_139 = arith.constant 0 : i32
      %dma_wait3A_140 = tpu.memref_slice %arg3[%run_scoped3A_88, %add3A, %dma_wait3A_138, %dma_wait3A_139] : memref<2x32x80x128xi32, #tpu.memory_space<hbm>> -> memref<1x1x40x128xi32, #tpu.memory_space<hbm>>
      %dma_wait3A_141 = tpu.memref_squeeze %dma_wait3A_140 : memref<1x1x40x128xi32, #tpu.memory_space<hbm>> -> memref<40x128xi32, #tpu.memory_space<hbm>>
      tpu.wait_dma2 semaphore(%run_scoped3A_125 : memref<!tpu.dma_semaphore, #tpu.memory_space<semaphore_mem>>) src(%dma_wait3A_141 : memref<40x128xi32, #tpu.memory_space<hbm>>) dst(%arg6 : memref<40x128xi32, #tpu.memory_space<vmem>>)
      tpu.yield
    }) : () -> ()
    %dma_start3A_89 = arith.constant 0 : i32
    %dma_start3A_90 = arith.constant 0 : i32
    %dma_start3A_91 = arith.constant 0 : i32
    %dma_start3A_92 = arith.constant 0 : i32
    %dma_start3A_93 = tpu.memref_slice %arg7[%dma_start3A_90, %dma_start3A_91, %dma_start3A_92] : memref<2x128x128xf32, #tpu.memory_space<vmem>> -> memref<1x128x128xf32, #tpu.memory_space<vmem>>
    %dma_start3A_94 = tpu.memref_squeeze %dma_start3A_93 : memref<1x128x128xf32, #tpu.memory_space<vmem>> -> memref<128x128xf32, #tpu.memory_space<vmem>>
    %dma_start3A_95 = arith.constant 0 : i32
    %dma_start3A_96 = tpu.memref_slice %arg5[%dma_start3A_89, %dma_start3A_95] : memref<40x128xi32, #tpu.memory_space<vmem>> -> memref<1x128xi32, #tpu.memory_space<vmem>>
    %dma_start3A_97 = tpu.memref_squeeze %dma_start3A_96 : memref<1x128xi32, #tpu.memory_space<vmem>> -> memref<128xi32, #tpu.memory_space<vmem>>
    %dma_start3A_98 = arith.constant 0 : i32
    %dma_start3A_99 = arith.constant 0 : i32
    %dma_start3A_100 = tpu.memref_slice %arg2[%dma_start3A_98, %dma_start3A_99] : memref<10000x128xf32, #tpu.memory_space<hbm>> -> memref<10000x128xf32, #tpu.memory_space<hbm>>
    tpu.enqueue_indirect_dma source(%dma_start3A_100 : memref<10000x128xf32, #tpu.memory_space<hbm>>) target(%dma_start3A_94 : memref<128x128xf32, #tpu.memory_space<vmem>>) offsets(%dma_start3A_97 : memref<128xi32, #tpu.memory_space<vmem>>) semaphore(%arg9 : memref<!tpu.dma_semaphore, #tpu.memory_space<semaphore_mem>>)
    %scan3A_101 = arith.constant 0 : i32
    %scan3A_102 = arith.constant 20 : i32
    %scan3A_103 = arith.addi %scan3A_101, %scan3A_102 : i32
    %scan3A_104 = arith.constant 1 : i32
    scf.for %scan3A_125 = %scan3A_101 to %scan3A_103 step %scan3A_104  : i32 {
      %mul3A_126 = arith.constant 2 : i32
      %mul3A_127 = arith.muli %scan3A_125, %mul3A_126 : i32
      %add3A_128 = arith.constant 0 : i32
      %add3A_129 = arith.addi %add3A_128, %mul3A_127 : i32
      %add3A_130 = arith.constant 0 : i32
      %add3A_131 = arith.addi %add3A_129, %add3A_130 : i32
      %ge3A = arith.constant 1 : i32
      %ge3A_132 = arith.cmpi sge, %add3A_131, %ge3A : i32
      %convert_element_type3A = arith.extui %ge3A_132 : i1 to i32
      %cond3A = arith.constant 0 : i32
      %cond3A_133 = arith.cmpi ne, %convert_element_type3A, %cond3A : i32
      scf.if %cond3A_133 {
        %dma_wait3A_206 = arith.constant 1 : i32
        %dma_wait3A_207 = arith.constant 0 : i32
        %dma_wait3A_208 = arith.constant 0 : i32
        %dma_wait3A_209 = tpu.memref_slice %arg7[%dma_wait3A_206, %dma_wait3A_207, %dma_wait3A_208] : memref<2x128x128xf32, #tpu.memory_space<vmem>> -> memref<1x128x128xf32, #tpu.memory_space<vmem>>
        %dma_wait3A_210 = tpu.memref_squeeze %dma_wait3A_209 : memref<1x128x128xf32, #tpu.memory_space<vmem>> -> memref<128x128xf32, #tpu.memory_space<vmem>>
        %dma_wait3A_211 = arith.constant 0 : i32
        %dma_wait3A_212 = arith.constant 0 : i32
        %dma_wait3A_213 = tpu.memref_slice %arg2[%dma_wait3A_211, %dma_wait3A_212] : memref<10000x128xf32, #tpu.memory_space<hbm>> -> memref<128x128xf32, #tpu.memory_space<hbm>>
        %dma_wait3A_214 = arith.constant 0 : i32
        %dma_wait3A_215 = arith.constant 0 : i32
        %dma_wait3A_216 = tpu.memref_slice %arg7[%dma_wait3A_206, %dma_wait3A_214, %dma_wait3A_215] : memref<2x128x128xf32, #tpu.memory_space<vmem>> -> memref<1x128x128xf32, #tpu.memory_space<vmem>>
        %dma_wait3A_217 = tpu.memref_squeeze %dma_wait3A_216 : memref<1x128x128xf32, #tpu.memory_space<vmem>> -> memref<128x128xf32, #tpu.memory_space<vmem>>
        %dma_wait3A_218 = arith.constant 0 : i32
        %dma_wait3A_219 = arith.constant 0 : i32
        %dma_wait3A_220 = tpu.memref_slice %arg2[%dma_wait3A_218, %dma_wait3A_219] : memref<10000x128xf32, #tpu.memory_space<hbm>> -> memref<128x128xf32, #tpu.memory_space<hbm>>
        tpu.wait_dma2 semaphore(%arg10 : memref<!tpu.dma_semaphore, #tpu.memory_space<semaphore_mem>>) src(%dma_wait3A_220 : memref<128x128xf32, #tpu.memory_space<hbm>>) dst(%dma_wait3A_217 : memref<128x128xf32, #tpu.memory_space<vmem>>)
      } else {
      }
      %add3A_134 = arith.constant 1 : i32
      %add3A_135 = arith.addi %add3A_131, %add3A_134 : i32
      %lt3A = arith.constant 40 : i32
      %lt3A_136 = arith.cmpi slt, %add3A_135, %lt3A : i32
      %convert_element_type3A_137 = arith.extui %lt3A_136 : i1 to i32
      %cond3A_138 = arith.constant 0 : i32
      %cond3A_139 = arith.cmpi ne, %convert_element_type3A_137, %cond3A_138 : i32
      scf.if %cond3A_139 {
        %add3A_206 = arith.constant 1 : i32
        %add3A_207 = arith.addi %add3A_131, %add3A_206 : i32
        %dma_start3A_208 = arith.constant 1 : i32
        %dma_start3A_209 = arith.constant 0 : i32
        %dma_start3A_210 = arith.constant 0 : i32
        %dma_start3A_211 = tpu.memref_slice %arg7[%dma_start3A_208, %dma_start3A_209, %dma_start3A_210] : memref<2x128x128xf32, #tpu.memory_space<vmem>> -> memref<1x128x128xf32, #tpu.memory_space<vmem>>
        %dma_start3A_212 = tpu.memref_squeeze %dma_start3A_211 : memref<1x128x128xf32, #tpu.memory_space<vmem>> -> memref<128x128xf32, #tpu.memory_space<vmem>>
        %dma_start3A_213 = arith.constant 0 : i32
        %dma_start3A_214 = tpu.memref_slice %arg5[%add3A_207, %dma_start3A_213] : memref<40x128xi32, #tpu.memory_space<vmem>> -> memref<1x128xi32, #tpu.memory_space<vmem>>
        %dma_start3A_215 = tpu.memref_squeeze %dma_start3A_214 : memref<1x128xi32, #tpu.memory_space<vmem>> -> memref<128xi32, #tpu.memory_space<vmem>>
        %dma_start3A_216 = arith.constant 0 : i32
        %dma_start3A_217 = arith.constant 0 : i32
        %dma_start3A_218 = tpu.memref_slice %arg2[%dma_start3A_216, %dma_start3A_217] : memref<10000x128xf32, #tpu.memory_space<hbm>> -> memref<10000x128xf32, #tpu.memory_space<hbm>>
        tpu.enqueue_indirect_dma source(%dma_start3A_218 : memref<10000x128xf32, #tpu.memory_space<hbm>>) target(%dma_start3A_212 : memref<128x128xf32, #tpu.memory_space<vmem>>) offsets(%dma_start3A_215 : memref<128xi32, #tpu.memory_space<vmem>>) semaphore(%arg9 : memref<!tpu.dma_semaphore, #tpu.memory_space<semaphore_mem>>)
      } else {
      }
      %dma_wait3A_140 = arith.constant 0 : i32
      %dma_wait3A_141 = arith.constant 0 : i32
      %dma_wait3A_142 = arith.constant 0 : i32
      %dma_wait3A_143 = tpu.memref_slice %arg7[%dma_wait3A_140, %dma_wait3A_141, %dma_wait3A_142] : memref<2x128x128xf32, #tpu.memory_space<vmem>> -> memref<1x128x128xf32, #tpu.memory_space<vmem>>
      %dma_wait3A_144 = tpu.memref_squeeze %dma_wait3A_143 : memref<1x128x128xf32, #tpu.memory_space<vmem>> -> memref<128x128xf32, #tpu.memory_space<vmem>>
      %dma_wait3A_145 = arith.constant 0 : i32
      %dma_wait3A_146 = arith.constant 0 : i32
      %dma_wait3A_147 = tpu.memref_slice %arg2[%dma_wait3A_145, %dma_wait3A_146] : memref<10000x128xf32, #tpu.memory_space<hbm>> -> memref<128x128xf32, #tpu.memory_space<hbm>>
      %dma_wait3A_148 = arith.constant 0 : i32
      %dma_wait3A_149 = arith.constant 0 : i32
      %dma_wait3A_150 = tpu.memref_slice %arg7[%dma_wait3A_140, %dma_wait3A_148, %dma_wait3A_149] : memref<2x128x128xf32, #tpu.memory_space<vmem>> -> memref<1x128x128xf32, #tpu.memory_space<vmem>>
      %dma_wait3A_151 = tpu.memref_squeeze %dma_wait3A_150 : memref<1x128x128xf32, #tpu.memory_space<vmem>> -> memref<128x128xf32, #tpu.memory_space<vmem>>
      %dma_wait3A_152 = arith.constant 0 : i32
      %dma_wait3A_153 = arith.constant 0 : i32
      %dma_wait3A_154 = tpu.memref_slice %arg2[%dma_wait3A_152, %dma_wait3A_153] : memref<10000x128xf32, #tpu.memory_space<hbm>> -> memref<128x128xf32, #tpu.memory_space<hbm>>
      tpu.wait_dma2 semaphore(%arg9 : memref<!tpu.dma_semaphore, #tpu.memory_space<semaphore_mem>>) src(%dma_wait3A_154 : memref<128x128xf32, #tpu.memory_space<hbm>>) dst(%dma_wait3A_151 : memref<128x128xf32, #tpu.memory_space<vmem>>)
      %dma_start3A_155 = arith.constant 0 : i32
      %dma_start3A_156 = arith.constant 0 : i32
      %dma_start3A_157 = arith.constant 0 : i32
      %dma_start3A_158 = tpu.memref_slice %arg7[%dma_start3A_155, %dma_start3A_156, %dma_start3A_157] : memref<2x128x128xf32, #tpu.memory_space<vmem>> -> memref<1x128x128xf32, #tpu.memory_space<vmem>>
      %dma_start3A_159 = tpu.memref_squeeze %dma_start3A_158 : memref<1x128x128xf32, #tpu.memory_space<vmem>> -> memref<128x128xf32, #tpu.memory_space<vmem>>
      %dma_start3A_160 = arith.constant 0 : i32
      %dma_start3A_161 = tpu.memref_slice %arg6[%add3A_131, %dma_start3A_160] : memref<40x128xi32, #tpu.memory_space<vmem>> -> memref<1x128xi32, #tpu.memory_space<vmem>>
      %dma_start3A_162 = tpu.memref_squeeze %dma_start3A_161 : memref<1x128xi32, #tpu.memory_space<vmem>> -> memref<128xi32, #tpu.memory_space<vmem>>
      %dma_start3A_163 = arith.constant 0 : i32
      %dma_start3A_164 = arith.constant 0 : i32
      %dma_start3A_165 = tpu.memref_slice %arg8[%dma_start3A_163, %dma_start3A_164] : memref<10240x128xf32, #tpu.memory_space<vmem_shared>> -> memref<10240x128xf32, #tpu.memory_space<vmem_shared>>
      tpu.enqueue_indirect_dma source(%dma_start3A_159 : memref<128x128xf32, #tpu.memory_space<vmem>>) target(%dma_start3A_165 : memref<10240x128xf32, #tpu.memory_space<vmem_shared>>) offsets(%dma_start3A_162 : memref<128xi32, #tpu.memory_space<vmem>>) semaphore(%arg10 : memref<!tpu.dma_semaphore, #tpu.memory_space<semaphore_mem>>) {add = true}
      %add3A_166 = arith.constant 1 : i32
      %add3A_167 = arith.addi %add3A_129, %add3A_166 : i32
      %ge3A_168 = arith.constant 1 : i32
      %ge3A_169 = arith.cmpi sge, %add3A_167, %ge3A_168 : i32
      %convert_element_type3A_170 = arith.extui %ge3A_169 : i1 to i32
      %cond3A_171 = arith.constant 0 : i32
      %cond3A_172 = arith.cmpi ne, %convert_element_type3A_170, %cond3A_171 : i32
      scf.if %cond3A_172 {
        %dma_wait3A_206 = arith.constant 0 : i32
        %dma_wait3A_207 = arith.constant 0 : i32
        %dma_wait3A_208 = arith.constant 0 : i32
        %dma_wait3A_209 = tpu.memref_slice %arg7[%dma_wait3A_206, %dma_wait3A_207, %dma_wait3A_208] : memref<2x128x128xf32, #tpu.memory_space<vmem>> -> memref<1x128x128xf32, #tpu.memory_space<vmem>>
        %dma_wait3A_210 = tpu.memref_squeeze %dma_wait3A_209 : memref<1x128x128xf32, #tpu.memory_space<vmem>> -> memref<128x128xf32, #tpu.memory_space<vmem>>
        %dma_wait3A_211 = arith.constant 0 : i32
        %dma_wait3A_212 = arith.constant 0 : i32
        %dma_wait3A_213 = tpu.memref_slice %arg2[%dma_wait3A_211, %dma_wait3A_212] : memref<10000x128xf32, #tpu.memory_space<hbm>> -> memref<128x128xf32, #tpu.memory_space<hbm>>
        %dma_wait3A_214 = arith.constant 0 : i32
        %dma_wait3A_215 = arith.constant 0 : i32
        %dma_wait3A_216 = tpu.memref_slice %arg7[%dma_wait3A_206, %dma_wait3A_214, %dma_wait3A_215] : memref<2x128x128xf32, #tpu.memory_space<vmem>> -> memref<1x128x128xf32, #tpu.memory_space<vmem>>
        %dma_wait3A_217 = tpu.memref_squeeze %dma_wait3A_216 : memref<1x128x128xf32, #tpu.memory_space<vmem>> -> memref<128x128xf32, #tpu.memory_space<vmem>>
        %dma_wait3A_218 = arith.constant 0 : i32
        %dma_wait3A_219 = arith.constant 0 : i32
        %dma_wait3A_220 = tpu.memref_slice %arg2[%dma_wait3A_218, %dma_wait3A_219] : memref<10000x128xf32, #tpu.memory_space<hbm>> -> memref<128x128xf32, #tpu.memory_space<hbm>>
        tpu.wait_dma2 semaphore(%arg10 : memref<!tpu.dma_semaphore, #tpu.memory_space<semaphore_mem>>) src(%dma_wait3A_220 : memref<128x128xf32, #tpu.memory_space<hbm>>) dst(%dma_wait3A_217 : memref<128x128xf32, #tpu.memory_space<vmem>>)
      } else {
      }
      %add3A_173 = arith.constant 1 : i32
      %add3A_174 = arith.addi %add3A_167, %add3A_173 : i32
      %lt3A_175 = arith.constant 40 : i32
      %lt3A_176 = arith.cmpi slt, %add3A_174, %lt3A_175 : i32
      %convert_element_type3A_177 = arith.extui %lt3A_176 : i1 to i32
      %cond3A_178 = arith.constant 0 : i32
      %cond3A_179 = arith.cmpi ne, %convert_element_type3A_177, %cond3A_178 : i32
      scf.if %cond3A_179 {
        %add3A_206 = arith.constant 1 : i32
        %add3A_207 = arith.addi %add3A_167, %add3A_206 : i32
        %dma_start3A_208 = arith.constant 0 : i32
        %dma_start3A_209 = arith.constant 0 : i32
        %dma_start3A_210 = arith.constant 0 : i32
        %dma_start3A_211 = tpu.memref_slice %arg7[%dma_start3A_208, %dma_start3A_209, %dma_start3A_210] : memref<2x128x128xf32, #tpu.memory_space<vmem>> -> memref<1x128x128xf32, #tpu.memory_space<vmem>>
        %dma_start3A_212 = tpu.memref_squeeze %dma_start3A_211 : memref<1x128x128xf32, #tpu.memory_space<vmem>> -> memref<128x128xf32, #tpu.memory_space<vmem>>
        %dma_start3A_213 = arith.constant 0 : i32
        %dma_start3A_214 = tpu.memref_slice %arg5[%add3A_207, %dma_start3A_213] : memref<40x128xi32, #tpu.memory_space<vmem>> -> memref<1x128xi32, #tpu.memory_space<vmem>>
        %dma_start3A_215 = tpu.memref_squeeze %dma_start3A_214 : memref<1x128xi32, #tpu.memory_space<vmem>> -> memref<128xi32, #tpu.memory_space<vmem>>
        %dma_start3A_216 = arith.constant 0 : i32
        %dma_start3A_217 = arith.constant 0 : i32
        %dma_start3A_218 = tpu.memref_slice %arg2[%dma_start3A_216, %dma_start3A_217] : memref<10000x128xf32, #tpu.memory_space<hbm>> -> memref<10000x128xf32, #tpu.memory_space<hbm>>
        tpu.enqueue_indirect_dma source(%dma_start3A_218 : memref<10000x128xf32, #tpu.memory_space<hbm>>) target(%dma_start3A_212 : memref<128x128xf32, #tpu.memory_space<vmem>>) offsets(%dma_start3A_215 : memref<128xi32, #tpu.memory_space<vmem>>) semaphore(%arg9 : memref<!tpu.dma_semaphore, #tpu.memory_space<semaphore_mem>>)
      } else {
      }
      %dma_wait3A_180 = arith.constant 1 : i32
      %dma_wait3A_181 = arith.constant 0 : i32
      %dma_wait3A_182 = arith.constant 0 : i32
      %dma_wait3A_183 = tpu.memref_slice %arg7[%dma_wait3A_180, %dma_wait3A_181, %dma_wait3A_182] : memref<2x128x128xf32, #tpu.memory_space<vmem>> -> memref<1x128x128xf32, #tpu.memory_space<vmem>>
      %dma_wait3A_184 = tpu.memref_squeeze %dma_wait3A_183 : memref<1x128x128xf32, #tpu.memory_space<vmem>> -> memref<128x128xf32, #tpu.memory_space<vmem>>
      %dma_wait3A_185 = arith.constant 0 : i32
      %dma_wait3A_186 = arith.constant 0 : i32
      %dma_wait3A_187 = tpu.memref_slice %arg2[%dma_wait3A_185, %dma_wait3A_186] : memref<10000x128xf32, #tpu.memory_space<hbm>> -> memref<128x128xf32, #tpu.memory_space<hbm>>
      %dma_wait3A_188 = arith.constant 0 : i32
      %dma_wait3A_189 = arith.constant 0 : i32
      %dma_wait3A_190 = tpu.memref_slice %arg7[%dma_wait3A_180, %dma_wait3A_188, %dma_wait3A_189] : memref<2x128x128xf32, #tpu.memory_space<vmem>> -> memref<1x128x128xf32, #tpu.memory_space<vmem>>
      %dma_wait3A_191 = tpu.memref_squeeze %dma_wait3A_190 : memref<1x128x128xf32, #tpu.memory_space<vmem>> -> memref<128x128xf32, #tpu.memory_space<vmem>>
      %dma_wait3A_192 = arith.constant 0 : i32
      %dma_wait3A_193 = arith.constant 0 : i32
      %dma_wait3A_194 = tpu.memref_slice %arg2[%dma_wait3A_192, %dma_wait3A_193] : memref<10000x128xf32, #tpu.memory_space<hbm>> -> memref<128x128xf32, #tpu.memory_space<hbm>>
      tpu.wait_dma2 semaphore(%arg9 : memref<!tpu.dma_semaphore, #tpu.memory_space<semaphore_mem>>) src(%dma_wait3A_194 : memref<128x128xf32, #tpu.memory_space<hbm>>) dst(%dma_wait3A_191 : memref<128x128xf32, #tpu.memory_space<vmem>>)
      %dma_start3A_195 = arith.constant 1 : i32
      %dma_start3A_196 = arith.constant 0 : i32
      %dma_start3A_197 = arith.constant 0 : i32
      %dma_start3A_198 = tpu.memref_slice %arg7[%dma_start3A_195, %dma_start3A_196, %dma_start3A_197] : memref<2x128x128xf32, #tpu.memory_space<vmem>> -> memref<1x128x128xf32, #tpu.memory_space<vmem>>
      %dma_start3A_199 = tpu.memref_squeeze %dma_start3A_198 : memref<1x128x128xf32, #tpu.memory_space<vmem>> -> memref<128x128xf32, #tpu.memory_space<vmem>>
      %dma_start3A_200 = arith.constant 0 : i32
      %dma_start3A_201 = tpu.memref_slice %arg6[%add3A_167, %dma_start3A_200] : memref<40x128xi32, #tpu.memory_space<vmem>> -> memref<1x128xi32, #tpu.memory_space<vmem>>
      %dma_start3A_202 = tpu.memref_squeeze %dma_start3A_201 : memref<1x128xi32, #tpu.memory_space<vmem>> -> memref<128xi32, #tpu.memory_space<vmem>>
      %dma_start3A_203 = arith.constant 0 : i32
      %dma_start3A_204 = arith.constant 0 : i32
      %dma_start3A_205 = tpu.memref_slice %arg8[%dma_start3A_203, %dma_start3A_204] : memref<10240x128xf32, #tpu.memory_space<vmem_shared>> -> memref<10240x128xf32, #tpu.memory_space<vmem_shared>>
      tpu.enqueue_indirect_dma source(%dma_start3A_199 : memref<128x128xf32, #tpu.memory_space<vmem>>) target(%dma_start3A_205 : memref<10240x128xf32, #tpu.memory_space<vmem_shared>>) offsets(%dma_start3A_202 : memref<128xi32, #tpu.memory_space<vmem>>) semaphore(%arg10 : memref<!tpu.dma_semaphore, #tpu.memory_space<semaphore_mem>>) {add = true}
    }
    %scan3A_105 = arith.constant 20 : i32
    %dma_wait3A_106 = arith.constant 1 : i32
    %dma_wait3A_107 = arith.constant 0 : i32
    %dma_wait3A_108 = arith.constant 0 : i32
    %dma_wait3A_109 = tpu.memref_slice %arg7[%dma_wait3A_106, %dma_wait3A_107, %dma_wait3A_108] : memref<2x128x128xf32, #tpu.memory_space<vmem>> -> memref<1x128x128xf32, #tpu.memory_space<vmem>>
    %dma_wait3A_110 = tpu.memref_squeeze %dma_wait3A_109 : memref<1x128x128xf32, #tpu.memory_space<vmem>> -> memref<128x128xf32, #tpu.memory_space<vmem>>
    %dma_wait3A_111 = arith.constant 0 : i32
    %dma_wait3A_112 = arith.constant 0 : i32
    %dma_wait3A_113 = tpu.memref_slice %arg2[%dma_wait3A_111, %dma_wait3A_112] : memref<10000x128xf32, #tpu.memory_space<hbm>> -> memref<128x128xf32, #tpu.memory_space<hbm>>
    %dma_wait3A_114 = arith.constant 0 : i32
    %dma_wait3A_115 = arith.constant 0 : i32
    %dma_wait3A_116 = tpu.memref_slice %arg7[%dma_wait3A_106, %dma_wait3A_114, %dma_wait3A_115] : memref<2x128x128xf32, #tpu.memory_space<vmem>> -> memref<1x128x128xf32, #tpu.memory_space<vmem>>
    %dma_wait3A_117 = tpu.memref_squeeze %dma_wait3A_116 : memref<1x128x128xf32, #tpu.memory_space<vmem>> -> memref<128x128xf32, #tpu.memory_space<vmem>>
    %dma_wait3A_118 = arith.constant 0 : i32
    %dma_wait3A_119 = arith.constant 0 : i32
    %dma_wait3A_120 = tpu.memref_slice %arg2[%dma_wait3A_118, %dma_wait3A_119] : memref<10000x128xf32, #tpu.memory_space<hbm>> -> memref<128x128xf32, #tpu.memory_space<hbm>>
    tpu.wait_dma2 semaphore(%arg10 : memref<!tpu.dma_semaphore, #tpu.memory_space<semaphore_mem>>) src(%dma_wait3A_120 : memref<128x128xf32, #tpu.memory_space<hbm>>) dst(%dma_wait3A_117 : memref<128x128xf32, #tpu.memory_space<vmem>>)
    %barrier3A_121 = arith.constant 0 : index
    tpu.barrier barrier_id(%barrier3A_121)
    %mul3A_122 = arith.constant 10240 : i32
    %mul3A_123 = arith.muli %arg0, %mul3A_122 : i32
    %add3A_124 = arith.addi %mul3A_123, %mul3A_23 : i32
    "tpu.region"() ({
      %run_scoped3A_125 = tpu.sem_alloc : memref<!tpu.dma_semaphore, #tpu.memory_space<semaphore_mem>>
      %dma_start3A_126 = arith.constant 0 : i32
      %dma_start3A_127 = tpu.memref_slice %arg4[%add3A_124, %dma_start3A_126] : memref<20480x128xf32, #tpu.memory_space<hbm>> -> memref<640x128xf32, #tpu.memory_space<hbm>>
      %dma_start3A_128 = arith.constant 0 : i32
      %dma_start3A_129 = tpu.memref_slice %arg8[%mul3A_23, %dma_start3A_128] : memref<10240x128xf32, #tpu.memory_space<vmem_shared>> -> memref<640x128xf32, #tpu.memory_space<vmem_shared>>
      tpu.enqueue_dma source(%dma_start3A_129 : memref<640x128xf32, #tpu.memory_space<vmem_shared>>) target(%dma_start3A_127 : memref<640x128xf32, #tpu.memory_space<hbm>>) target_semaphore(%run_scoped3A_125 : memref<!tpu.dma_semaphore, #tpu.memory_space<semaphore_mem>>)
      %dma_wait3A_130 = arith.constant 0 : i32
      %dma_wait3A_131 = tpu.memref_slice %arg4[%add3A_124, %dma_wait3A_130] : memref<20480x128xf32, #tpu.memory_space<hbm>> -> memref<640x128xf32, #tpu.memory_space<hbm>>
      %dma_wait3A_132 = arith.constant 0 : i32
      %dma_wait3A_133 = tpu.memref_slice %arg8[%mul3A_23, %dma_wait3A_132] : memref<10240x128xf32, #tpu.memory_space<vmem_shared>> -> memref<640x128xf32, #tpu.memory_space<vmem_shared>>
      tpu.wait_dma2 semaphore(%run_scoped3A_125 : memref<!tpu.dma_semaphore, #tpu.memory_space<semaphore_mem>>) src(%dma_wait3A_133 : memref<640x128xf32, #tpu.memory_space<vmem_shared>>) dst(%dma_wait3A_131 : memref<640x128xf32, #tpu.memory_space<hbm>>)
      tpu.yield
    }) : () -> ()
    return
  }
}

module attributes {stable_mosaic.version = 14 : i64} {
  func.func @_mlp_body(%arg0: i32, %arg1: memref<2048x128xf32, #tpu.memory_space<vmem>>, %arg2: memref<2x2048x128xf32, #tpu.memory_space<vmem>>, %arg3: memref<128x128xf32, #tpu.memory_space<vmem>>, %arg4: memref<1x128xf32, #tpu.memory_space<vmem>>, %arg5: memref<128x128xf32, #tpu.memory_space<vmem>>, %arg6: memref<1x128xf32, #tpu.memory_space<vmem>>, %arg7: memref<2048x128xf32, #tpu.memory_space<vmem>>) attributes {dimension_semantics = [#tpu.dimension_semantics<arbitrary>], iteration_bounds = array<i64: 5>, scalar_prefetch = 0 : i64, scratch_operands = 0 : i64, tpu.core_type = #tpu.core_type<tc>, window_params = [{transform_indices = @transform_0, window_bounds = array<i64: 2048, 128>}, {transform_indices = @transform_1, window_bounds = array<i64: 2, 2048, 128>}, {pipeline_mode = #tpu.pipeline_mode<synchronous>, transform_indices = @transform_2, window_bounds = array<i64: 128, 128>}, {pipeline_mode = #tpu.pipeline_mode<synchronous>, transform_indices = @transform_3, window_bounds = array<i64: 1, 128>}, {pipeline_mode = #tpu.pipeline_mode<synchronous>, transform_indices = @transform_4, window_bounds = array<i64: 128, 128>}, {pipeline_mode = #tpu.pipeline_mode<synchronous>, transform_indices = @transform_5, window_bounds = array<i64: 1, 128>}, {transform_indices = @transform_6, window_bounds = array<i64: 2048, 128>}]} {
    %get3A = arith.constant 0 : index
    %get3A_0 = arith.constant 0 : index
    %get3A_1 = vector.load %arg1[%get3A, %get3A_0] : memref<2048x128xf32, #tpu.memory_space<vmem>>, vector<2048x128xf32>
    %get3A_2 = arith.constant 0 : index
    %get3A_3 = arith.constant 0 : index
    %get3A_4 = arith.constant 0 : index
    %get3A_5 = vector.load %arg2[%get3A_2, %get3A_3, %get3A_4] : memref<2x2048x128xf32, #tpu.memory_space<vmem>>, vector<1x2048x128xf32>
    %get3A_6 = vector.shape_cast %get3A_5 : vector<1x2048x128xf32> to vector<2048x128xf32>
    %add3A = arith.addf %get3A_1, %get3A_6 : vector<2048x128xf32>
    %get3A_7 = arith.constant 1 : index
    %get3A_8 = arith.constant 0 : index
    %get3A_9 = arith.constant 0 : index
    %get3A_10 = vector.load %arg2[%get3A_7, %get3A_8, %get3A_9] : memref<2x2048x128xf32, #tpu.memory_space<vmem>>, vector<1x2048x128xf32>
    %get3A_11 = vector.shape_cast %get3A_10 : vector<1x2048x128xf32> to vector<2048x128xf32>
    %add3A_12 = arith.addf %add3A, %get3A_11 : vector<2048x128xf32>
    %get3A_13 = arith.constant 0 : index
    %get3A_14 = arith.constant 0 : index
    %get3A_15 = vector.load %arg3[%get3A_13, %get3A_14] : memref<128x128xf32, #tpu.memory_space<vmem>>, vector<128x128xf32>
    %dot_general3A = arith.constant dense<0.000000e+00> : vector<2048x128xf32>
    %dot_general3A_16 = tpu.matmul %add3A_12, %get3A_15, %dot_general3A {dimension_numbers = #tpu.dot_dimension_numbers<[1], [0], [0], [1], [0, 0, 1, 1], [], []>, transpose_lhs_hint = false} : vector<2048x128xf32>, vector<128x128xf32>, vector<2048x128xf32> -> vector<2048x128xf32>
    %get3A_17 = arith.constant 0 : index
    %get3A_18 = arith.constant 0 : index
    %get3A_19 = vector.load %arg4[%get3A_17, %get3A_18] : memref<1x128xf32, #tpu.memory_space<vmem>>, vector<1x128xf32>
    %add3A_20 = vector.broadcast %get3A_19 : vector<1x128xf32> to vector<2048x128xf32>
    %add3A_21 = arith.addf %dot_general3A_16, %add3A_20 : vector<2048x128xf32>
    %max3A = arith.constant 0.000000e+00 : f32
    %max3A_22 = vector.broadcast %max3A : f32 to vector<2048x128xf32>
    %max3A_23 = arith.maximumf %add3A_21, %max3A_22 : vector<2048x128xf32>
    %get3A_24 = arith.constant 0 : index
    %get3A_25 = arith.constant 0 : index
    %get3A_26 = vector.load %arg5[%get3A_24, %get3A_25] : memref<128x128xf32, #tpu.memory_space<vmem>>, vector<128x128xf32>
    %dot_general3A_27 = arith.constant dense<0.000000e+00> : vector<2048x128xf32>
    %dot_general3A_28 = tpu.matmul %max3A_23, %get3A_26, %dot_general3A_27 {dimension_numbers = #tpu.dot_dimension_numbers<[1], [0], [0], [1], [0, 0, 1, 1], [], []>, transpose_lhs_hint = false} : vector<2048x128xf32>, vector<128x128xf32>, vector<2048x128xf32> -> vector<2048x128xf32>
    %get3A_29 = arith.constant 0 : index
    %get3A_30 = arith.constant 0 : index
    %get3A_31 = vector.load %arg6[%get3A_29, %get3A_30] : memref<1x128xf32, #tpu.memory_space<vmem>>, vector<1x128xf32>
    %add3A_32 = vector.broadcast %get3A_31 : vector<1x128xf32> to vector<2048x128xf32>
    %add3A_33 = arith.addf %dot_general3A_28, %add3A_32 : vector<2048x128xf32>
    %swap3A = arith.constant 0 : index
    %swap3A_34 = arith.constant 0 : index
    %swap3A_35 = vector.load %arg7[%swap3A, %swap3A_34] : memref<2048x128xf32, #tpu.memory_space<vmem>>, vector<2048x128xf32>
    tpu.vector_store %arg7[%swap3A, %swap3A_34], %add3A_33 {strides = array<i32>} : memref<2048x128xf32, #tpu.memory_space<vmem>>, vector<2048x128xf32>,
    return
  }
  func.func @transform_0(%arg0: i32) -> (i32, i32) {
    %c0_i32 = arith.constant 0 : i32
    %c0_i32_0 = arith.constant 0 : i32
    return %arg0, %c0_i32 : i32, i32
  }
  func.func @transform_1(%arg0: i32) -> (i32, i32, i32) {
    %c0_i32 = arith.constant 0 : i32
    %c0_i32_0 = arith.constant 0 : i32
    %c0_i32_1 = arith.constant 0 : i32
    return %c0_i32, %arg0, %c0_i32_0 : i32, i32, i32
  }
  func.func @transform_2(%arg0: i32) -> (i32, i32) {
    %c0_i32 = arith.constant 0 : i32
    %c0_i32_0 = arith.constant 0 : i32
    %c0_i32_1 = arith.constant 0 : i32
    return %c0_i32, %c0_i32_0 : i32, i32
  }
  func.func @transform_3(%arg0: i32) -> (i32, i32) {
    %c0_i32 = arith.constant 0 : i32
    %c0_i32_0 = arith.constant 0 : i32
    %c0_i32_1 = arith.constant 0 : i32
    return %c0_i32, %c0_i32_0 : i32, i32
  }
  func.func @transform_4(%arg0: i32) -> (i32, i32) {
    %c0_i32 = arith.constant 0 : i32
    %c0_i32_0 = arith.constant 0 : i32
    %c0_i32_1 = arith.constant 0 : i32
    return %c0_i32, %c0_i32_0 : i32, i32
  }
  func.func @transform_5(%arg0: i32) -> (i32, i32) {
    %c0_i32 = arith.constant 0 : i32
    %c0_i32_0 = arith.constant 0 : i32
    %c0_i32_1 = arith.constant 0 : i32
    return %c0_i32, %c0_i32_0 : i32, i32
  }
  func.func @transform_6(%arg0: i32) -> (i32, i32) {
    %c0_i32 = arith.constant 0 : i32
    %c0_i32_0 = arith.constant 0 : i32
    return %arg0, %c0_i32 : i32, i32
  }
}

</mosaic_0001>

<sc_bundles>
// kernel: kernel.4.cloned.1.call-start
scs
__scs_entry_jumppad:
0x0: {  	(pc) =	sbr.rel $0x88, $3  }
0x1: {  	(tag) =	ssettag $0x0;
	lr =	simm.s32 $0x1  }
0x2: {  	[smem:$0x3F9B] =	sst lr;
	_ =	strace $0xD0000000  }
0x3: {  	_ = 	snop  }
0x4: {  	_ = 	snop  }
0x5: {  	_ = 	snop  }
0x6: {  	_ = 	snop  }
0x7: {  	_ = 	snop  }
__scs_overlays_trampoline_lowered:
0x8: {  	[smem:$0x3FAA] =	sst s0  }
0x9: {  	[smem:$0x3FAB] =	sst s1  }
0xa: {  	[smem:$0x3FAC] =	sst s2  }
0xb: {  	[smem:$0x3FAD] =	sst s3  }
0xc: {  	[smem:$0x3FAE] =	sst s4  }
0xd: {  	[smem:$0x3FAF] =	sst s5  }
0xe: {  	[smem:$0x3FB0] =	sst s6  }
0xf: {  	[smem:$0x3FB1] =	sst s7  }
0x10: {  	[smem:$0x3FB2] =	sst s8  }
0x11: {  	[smem:$0x3FB3] =	sst s9;
	s0 =	simm.s32 @!p0 $0x0  }
0x12: {  	s1 =	sld [smem:$0x3F99];
	s0 =	simm.s32 @p0 $0x1  }
0x13: {  	[smem:$0x3FB4] =	sst s0;
	s0 =	simm.s32 @!p1 $0x0  }
0x14: {  	s2 =	sld [smem:$0x3F98];
	s0 =	simm.s32 @p1 $0x1  }
0x15: {  	[smem:$0x3FB5] =	sst s0;
	s0 =	simm.s32 @!p2 $0x0  }
0x16: {  	s3 =	sld [smem:$0x3FDB];
	s0 =	simm.s32 @p2 $0x1  }
0x17: {  	s4 =	simm.s32 $0x1BF5;
	[smem:$0x3FB7] =	sst s0  }
0x18: {  	s0 =	sld [smem:$0x3F9A];
	_ =	swait.ge [sflag:s4], $0x0  }
0x19: {  	s7 =	sld [smem:$0x3F9B]  }
0x1a: {  	s8 =	sadd.s32 $0xFFFFE003, lr  }
0x1b: {  	s9 =	sadd.s32 $0xFFFFFEF7, lr;
	s5 =	simm.s32 $0xFFFFFFFF;
	p2 =	slt.u32 s8, $0xFFFFF086  }
0x1c: {  	p1 =	slt.u32 s9, $0xF7A;
	s5 =	simm.s32 @!p2 $0x0  }
0x1d: {  	s5 =	simm.s32 @p1 $0x1;
	p0 =	seq.s32 s7, s2  }
0x1e: {  	s7 =	smul.u32 @!p0 $0xF7A, s2;
	p2 =	seq.s32 @!p0 s5, $0x0  }
0x1f: {  	s9 =	smul.u32 $0xF7A, s1;
	s8 =	simm.s32 @!p0 $0x1BF5;
	p2 =	por !p2, p0  }
0x20: {  	[sflag:s8] =	ssyncset.s32 @!p0 $0xFFFFF086;
	s6 =	sadd.s32 @!p0 s3, s7;
	s7 =	simm.s32 @!p0 $0x108  }
0x21: {  	s3 =	sadd.s32 s3, s9;
	s6 =	sadd.s32 @!p0 $0x88, s6;
	s7 =	simm.s32 @p2 $0x1082  }
0x22: {  	[simem:s7], [sflag:s8] =	dma.local @!p0 [hbm:s6], $0xF7A  }
0x23: {  	s9 =	sor.u32 $0xD0000000, s2;
	s6 =	simm.s32 $0x108;
	_ =	swait.ge @!p0 [sflag:s8], $0x0  }
0x24: {  	s3 =	sadd.s32 $0x88, s3;
	s6 =	simm.s32 @!p1 $0x1082;
	[sflag:s4] =	ssyncset.s32 $0xFFFFF086  }
0x25: {  	[simem:s6], [sflag:s4] =	dma.local [hbm:s3], $0xF7A  }
0x26: {  	[smem:$0x3F9B] =	sst s1;
	(tag) =	ssettag s2;
	_ =	strace s9  }
0x27: {  	s1 =	sld [smem:$0x3FAB]  }
0x28: {  	s2 =	sld [smem:$0x3FAC]  }
0x29: {  	s4 =	sld [smem:$0x3FAE]  }
0x2a: {  	p0 =	seq.s32 s5, $0x0;
	s5 =	sld [smem:$0x3FAF]  }
0x2b: {  	s6 =	sld [smem:$0x3FB0]  }
0x2c: {  	s7 =	sld [smem:$0x3FB1]  }
0x2d: {  	s3 =	simm.s32 $0x108;
	s8 =	sld [smem:$0x3FB2]  }
0x2e: {  	s3 =	simm.s32 @!p0 $0x1082;
	s9 =	sld [smem:$0x3FB3]  }
0x2f: {  	lr =	sadd.s32 s0, s3;
	s0 =	sld [smem:$0x3FAA]  }
0x30: {  	s3 =	sld [smem:$0x3FAD]  }
0x31: {  	[smem:$0x3FB6] =	sst s10  }
0x32: {  	s10 =	sld [smem:$0x3FB4];
	_ =	sdelay $0x3  }
0x33: {  	p0 =	seq.s32 s10, $0x1;
	s10 =	sld [smem:$0x3FB6];
	_ =	sdelay $0x3  }
0x34: {  	[smem:$0x3FB6] =	sst s10  }
0x35: {  	s10 =	sld [smem:$0x3FB5];
	_ =	sdelay $0x3  }
0x36: {  	p1 =	seq.s32 s10, $0x1;
	s10 =	sld [smem:$0x3FB6];
	_ =	sdelay $0x3  }
0x37: {  	[smem:$0x3FB6] =	sst s10  }
0x38: {  	s10 =	sld [smem:$0x3FB7]  }
0x39: {  	_ = 	snop;
	(pc) =	sbr.ind lr, $3  }
0x3a: {  	_ = 	snop  }
0x3b: {  	_ = 	snop  }
0x3c: {  	p2 =	seq.s32 s10, $0x1;
	s10 =	sld [smem:$0x3FB6]  }
0x3d: {  	_ =	shalt  }
0x3e: {  	_ =	shalt  }
0x3f: {  	_ =	shalt  }
0x40: {  	_ =	shalt  }
0x41: {  	_ =	shalt  }
0x42: {  	_ =	shalt  }
0x43: {  	_ =	shalt  }
0x44: {  	_ =	shalt  }
0x45: {  	_ =	shalt  }
0x46: {  	_ =	shalt  }
0x47: {  	_ =	shalt  }
0x48: {  	_ =	shalt  }
0x49: {  	_ =	shalt  }
0x4a: {  	_ =	shalt  }
0x4b: {  	_ =	shalt  }
0x4c: {  	_ =	shalt  }
0x4d: {  	_ =	shalt  }
0x4e: {  	_ =	shalt  }
0x4f: {  	_ =	shalt  }
0x50: {  	_ =	shalt  }
0x51: {  	_ =	shalt  }
0x52: {  	_ =	shalt  }
0x53: {  	_ =	shalt  }
0x54: {  	_ =	shalt  }
0x55: {  	_ =	shalt  }
0x56: {  	_ =	shalt  }
0x57: {  	_ =	shalt  }
0x58: {  	_ =	shalt  }
0x59: {  	_ =	shalt  }
0x5a: {  	_ =	shalt  }
0x5b: {  	_ =	shalt  }
0x5c: {  	_ =	shalt  }
0x5d: {  	_ =	shalt  }
0x5e: {  	_ =	shalt  }
0x5f: {  	_ =	shalt  }
0x60: {  	_ =	shalt  }
0x61: {  	_ =	shalt  }
0x62: {  	_ =	shalt  }
0x63: {  	_ =	shalt  }
0x64: {  	_ =	shalt  }
0x65: {  	_ =	shalt  }
0x66: {  	_ =	shalt  }
0x67: {  	_ =	shalt  }
0x68: {  	_ =	shalt  }
0x69: {  	_ =	shalt  }
0x6a: {  	_ =	shalt  }
0x6b: {  	_ =	shalt  }
0x6c: {  	_ =	shalt  }
0x6d: {  	_ =	shalt  }
0x6e: {  	_ =	shalt  }
0x6f: {  	_ =	shalt  }
0x70: {  	_ =	shalt  }
0x71: {  	_ =	shalt  }
0x72: {  	_ =	shalt  }
0x73: {  	_ =	shalt  }
0x74: {  	_ =	shalt  }
0x75: {  	_ =	shalt  }
0x76: {  	_ =	shalt  }
0x77: {  	_ =	shalt  }
0x78: {  	_ =	shalt  }
0x79: {  	_ =	shalt  }
0x7a: {  	_ =	shalt  }
0x7b: {  	_ =	shalt  }
0x7c: {  	_ =	shalt  }
0x7d: {  	_ =	shalt  }
0x7e: {  	_ =	shalt  }
0x7f: {  	_ =	shalt  }
0x80: {  	_ =	shalt  }
0x81: {  	_ =	shalt  }
0x82: {  	_ =	shalt  }
0x83: {  	_ =	shalt  }
0x84: {  	_ =	shalt  }
0x85: {  	_ =	shalt  }
0x86: {  	_ =	shalt  }
0x87: {  	_ =	shalt  }
.Lfunc_end0:
.L_simem_size_0:
called_computation_lowered:
.L_overlay_start_0:
0x88: {  	s2 =	sld [smem:$0x3FD9]  }
0x89: {  	s3 =	sld [smem:$0x3FFE];
	_ =	sdelay $0x1  }
0x8a: {  	s1 =	srdreg.scid  }
0x8b: {  	s0 =	sand.u32 $0x1, s1  }
0x8c: {  	s17 =	sshll.u32 s0, $0xA;
	s2 =	sadd.s32 s3, s2  }
0x8d: {  	s2 =	sadd.s32 s2, s17  }
0x8e: {  	[smem:$0x3FC2] =	sst s2  }
0x8f: {  	_ = 	snop  }
0x90: {  	s2 =	sld [smem:$0x3FC9]  }
0x91: {  	s18 =	sld [smem:$0x3FD0];
	(tm) =	ssettm $0x1  }
0x92: {  	s4 =	sld [smem:$0x3FFB];
	_ =	sdelay $0x3  }
0x93: {  	_ =	strace s4  }
0x94: {  	s4 =	sld [smem:$0x3FFC];
	_ =	sdelay $0x3  }
0x95: {  	_ =	strace s4  }
0x96: {  	s4 =	sld [smem:$0x3FFD];
	_ =	sdelay $0x3  }
0x97: {  	_ =	strace s4  }
0x98: {  	_ =	strace $0x8FFFFFFF  }
0x99: {  	s19 =	sld [smem:$0x3FDB];
	_ =	sdelay $0x1  }
0x9a: {  	s5 =	simm.s32 $_scs_section_size  }
0x9b: {  	s6 =	simm.s32 $_size__tile_overlayer_lowered;
	s7 =	simm.s32 $_tile_overlayer_lowered  }
0x9c: {  	s22 =	simm.s32 $0x1BFF;
	s21 =	sshll.u32 s7, $0x1;
	s4 =	sadd.s32 s5, s19  }
0x9d: {  	s8 =	simm.s32 $0x0;
	s20 =	sshll.u32 s6, $0x1;
	s6 =	sadd.s32 s21, s4  }
0x9e: {  	[timem:s8], [sflag:s22] =	dma.local [hbm:s6], s20  }
0x9f: {  	_ =	swait.ge [sflag:s22], s20  }
0xa0: {  	s5 =	ssub.s32 $0x0, s20;
	[sflag:s22] =	ssyncset.done $0x0  }
0xa1: {  	[sflag:s22] =	ssyncadd.s32 s5;
	_ =	sdelay $0x1  }
0xa2: {  	s23 =	simm.s32 $0x1B8B  }
0xa3: {  	_ =	swait.ge [sflag:s23], $0x1  }
0xa4: {  	[sflag:s23] =	ssyncset.done $0x0  }
0xa5: {  	s25 =	simm.s32 $0x1B8E;
	s24 =	sld [smem:$0x3FFE];
	[sflag:s23] =	ssyncadd.s32 $0xFFFFFFFF  }
0xa6: {  	s26 =	simm.s32 $execute0_lowered;
	[smem:$0x3FD2] =	sst s25  }
0xa7: {  	s6 =	sshll.u32 s26, $0x1;
	_ =	strace $0x80000046;
	[dreg:$0x1] =	wrdreg $0xFFFFFFFF  }
0xa8: {  	s28 =	simm.s32 $_size_execute0_lowered;
	s4 =	sadd.s32 s4, s6;
	[dreg:$0x0] =	wrdreg $0x0  }
0xa9: {  	s6 =	sshll.u32 s28, $0x1;
	[dreg:$0x2] =	wrdreg s4  }
0xaa: {  	[dreg:$0x3] =	wrdreg s6  }
0xab: {  	[dreg:$0x4] =	wrdreg $0xC0  }
0xac: {  	_ =	task [dreg:s8], $0x5FFFF  }
0xad: {  	[dreg:$0x1] =	wrdreg $0xFFFFFFFF  }
0xae: {  	[dreg:$0x0] =	wrdreg $0x60  }
0xaf: {  	[dreg:$0x2] =	wrdreg s2  }
0xb0: {  	[dreg:$0x3] =	wrdreg s18  }
0xb1: {  	[dreg:$0x4] =	wrdreg s24  }
0xb2: {  	[dreg:$0x5] =	wrdreg $0xA8000  }
0xb3: {  	[dreg:$0x6] =	wrdreg $0x9  }
0xb4: {  	_ =	task.clear_ibuf [dreg:s8], $0x7FFFF;
	_ =	strace $0x90000046  }
0xb5: {  	s29 =	simm.s32 $0x9;
	_ =	strace $0x80000048  }
0xb6: {  	_ =	swait.ge [sflag:s29], $0x1  }
0xb7: {  	[sflag:s29] =	ssyncadd.s32 $0xFFFFFFFF  }
0xb8: {  	_ =	strace $0x90000048  }
0xb9: {  	_ =	sfence  }
0xba: {  	s30 =	sld [smem:$0x0];
	_ =	sdelay $0x2  }
0xbb: {  	s31 =	sshll.u32 s1, $0xD;
	s1 =	sshrl.u32 s1, $0x2  }
0xbc: {  	s3 =	sand.u32 $0x4000, s31;
	s1 =	sadd.s32 s1, s30  }
0xbd: {  	s0 =	sor.u32 s3, s0;
	s1 =	sshll.u32 s1, $0x11  }
0xbe: {  	s0 =	sor.u32 s1, s0  }
0xbf: {  	s0 =	sadd.s32 $0x8F2B, s0  }
0xc0: {  	[sflag:s0] =	ssyncadd.remote.s32 $0x1  }
0xc1: {  	_ =	sfence.sel $0xFFFF  }
0xc2: {  	[dreg:$0x0] =	wrdreg $0xFFFFFFFF;
	(pc) =	sbr.abs _section_cstart, $3  }
0xc3: {  	[dreg:$0x1] =	wrdreg $0xFFFFFFFF  }
0xc4: {  	_ =	task.clear_ibuf [dreg:s8], $0x2FFFF;
	_ =	strace $0x9FFFFFFF  }
0xc5: {  	(tm) =	ssettm $0x7FFFFFFF  }
tec
execute0_lowered:
.L_overlay_start_1:
0x0: {  	(tag) =	ssettag $0x1  }
0x1: {  	s1 =	rddreg [dreg:$0x0]  }
0x2: {  	s5 =	rddreg [dreg:$0x1]  }
0x3: {  	s6 =	rddreg [dreg:$0x2]  }
0x4: {  	s3 =	rddreg [dreg:$0x3];
	s4 =	srdreg.scid  }
0x5: {  	s2 =	stileid.u32;
	s16 =	simm.s32 $0x1400;
	s17 =	simm.s32 $0x2800  }
0x6: {  	s18 =	simm.s32 $0x3;
	s19 =	simm.s32 $0x1;
	s20 =	simm.s32 $0x2  }
0x7: {  	s21 =	simm.s32 $0x80;
	s22 =	simm.s32 $0x6800;
	s23 =	simm.s32 $0x100  }
0x8: {  	s28 =	simm.s32 $0x2780;
	s29 =	simm.s32 $0x0;
	s8 =	smul.u32 $0x2800, s2  }
0x9: {  	s7 =	sand.u32 $0x1, s4;
	s9 =	sshll.u32 s2, $0x1;
	s24 =	smul.u32 $0x50000, s2  }
0xa: {  	s4 =	simm.s32 $0x0;
	s10 =	smul.u32 $0x28000, s7;
	s9 =	sor.u32 s7, s9  }
0xb: {  	[smem:$0x7FF] =	sst s4;
	s25 =	ssub.s32 $0x2, s7;
	s9 =	smul.u32 $0x2800, s9  }
0xc: {  	_ =	strace $0x80000047;
	s30 =	sshrl.u32 s25, $0x1;
	s31 =	sshrl.u32 s24, $0x2  }
0xd: {  	s24 =	simm.s32 $0x1480;
	s8 =	sadd.s32 s8, s10;
	s15 =	ssub.s32 s25, s30  }
0xe: {  	s7 =	sadd.s32 s31, s3;
	s25 =	simm.s32 $0x1380;
	s14 =	sadd.s32 s8, s6  }
0xf: {  	s26 =	sshrl.u32 s9, $0x3;
	s8 =	sadd.s32 $0x4000, s7;
	s9 =	sadd.s32 $0x8000, s7  }
0x10: {  	s10 =	sadd.s32 $0xC000, s7;
	s11 =	sadd.s32 $0x10000, s7;
	s15 =	smax.u32 s15, $0x1  }
0x11: {  	s5 =	sadd.s32 s5, s26;
	s14 =	sadd.s32 $0x1600, s14;
	s26 =	simm.s32 $0x2700  }
0x12: {  	v0 =	vimm.f32 $0.0e+00;
	s6 =	sadd.s32 $0xA000, s5;
	s12 =	sadd.s32 $0x280, s5;
	s13 =	sadd.s32 $0xA280, s5  }
.LBB2_1:
0x13: {  	[tilespmem:s4], [sflag:$0x1] =	stream.linear.gather [hbm4b:s5+s4], $0x1400, $0x38;
	[tilespmem:$0x1E800] =	vst v63  }
0x14: {  	s30 =	simm.s32 $0x0;
	s31 =	simm.s32 $0x200  }
0x15: {  	[tilespmem:s16], [sflag:$0x2] =	stream.linear.gather [hbm4b:s6+s4], $0x1400, $0x38;
	[tilespmem:$0x1E800] =	vst v63  }
.LBB2_2:
0x16: {  	p0 =	sne.s32 s31, $0xFE00;
	[tilespmem:s30+$0x2870] =	vst v0  }
0x17: {  	[tilespmem:s30+$0x2800] =	vst v0  }
0x18: {  	[tilespmem:s30+$0x2810] =	vst v0  }
.Ltmp0:
0x19: {  	[tilespmem:s30+$0x2820] =	vst v0;
	(pc) =	sbr.rel @p0 .LBB2_2-.Ltmp0, $4  }
0x1a: {  	[tilespmem:s30+$0x2830] =	vst v0  }
0x1b: {  	[tilespmem:s30+$0x2840] =	vst v0  }
0x1c: {  	[tilespmem:s30+$0x2850] =	vst v0  }
0x1d: {  	[tilespmem:s30+$0x2860] =	vst v0;
	s30 =	sshra.s32 s31, $0x2;
	s31 =	sadd.s32 $0x200, s31  }
0x1e: {  	[tilespmem:s30+$0x2870] =	vst v0  }
0x1f: {  	[tilespmem:s30+$0x2800] =	vst v0  }
0x20: {  	[tilespmem:s30+$0x2810] =	vst v0  }
0x21: {  	[tilespmem:s30+$0x2820] =	vst v0  }
0x22: {  	[tilespmem:s30+$0x2830] =	vst v0  }
0x23: {  	[tilespmem:s30+$0x2840] =	vst v0  }
0x24: {  	[tilespmem:s30+$0x2850] =	vst v0  }
0x25: {  	[tilespmem:s30+$0x2860] =	vst v0  }
0x26: {  	[spmem:s7] =	stream.linear.scatter [tilespmem:s17], [sflag:$0x3], $0x4000, $0x38;
	[tilespmem:$0x1E800] =	vst v63  }
0x27: {  	_ =	swait.ge [sflag:s18], $0x4000  }
0x28: {  	[sflag:s18] =	ssyncset.done $0x0  }
0x29: {  	[sflag:s18] =	ssyncadd.s32 $0xFFFFC000  }
0x2a: {  	[spmem:s8] =	stream.linear.scatter [tilespmem:s17], [sflag:$0x3], $0x4000, $0x38;
	[tilespmem:$0x1E800] =	vst v63  }
0x2b: {  	_ =	swait.ge [sflag:s18], $0x4000  }
0x2c: {  	[sflag:s18] =	ssyncset.done $0x0  }
0x2d: {  	[sflag:s18] =	ssyncadd.s32 $0xFFFFC000  }
0x2e: {  	[spmem:s9] =	stream.linear.scatter [tilespmem:s17], [sflag:$0x3], $0x4000, $0x38;
	[tilespmem:$0x1E800] =	vst v63  }
0x2f: {  	_ =	swait.ge [sflag:s18], $0x4000  }
0x30: {  	[sflag:s18] =	ssyncset.done $0x0  }
0x31: {  	[sflag:s18] =	ssyncadd.s32 $0xFFFFC000  }
0x32: {  	[spmem:s10] =	stream.linear.scatter [tilespmem:s17], [sflag:$0x3], $0x4000, $0x38;
	[tilespmem:$0x1E800] =	vst v63  }
0x33: {  	_ =	swait.ge [sflag:s18], $0x4000  }
0x34: {  	[sflag:s18] =	ssyncset.done $0x0  }
0x35: {  	[sflag:s18] =	ssyncadd.s32 $0xFFFFC000  }
0x36: {  	[spmem:s11] =	stream.linear.scatter [tilespmem:s17], [sflag:$0x3], $0x4000, $0x38;
	[tilespmem:$0x1E800] =	vst v63  }
0x37: {  	_ =	swait.ge [sflag:s18], $0x4000  }
0x38: {  	[sflag:s18] =	ssyncset.done $0x0  }
0x39: {  	[sflag:s18] =	ssyncadd.s32 $0xFFFFC000  }
0x3a: {  	_ =	swait.ge [sflag:s19], $0x1400  }
0x3b: {  	[sflag:s19] =	ssyncset.done $0x0  }
0x3c: {  	[sflag:s19] =	ssyncadd.s32 $0xFFFFEC00  }
0x3d: {  	_ =	swait.ge [sflag:s20], $0x1400  }
0x3e: {  	[sflag:s20] =	ssyncset.done $0x0  }
0x3f: {  	[sflag:s20] =	ssyncadd.s32 $0xFFFFEC00  }
0x40: {  	[bflag:$0x0] =	sbarrier.arrive $0xFFFF  }
0x41: {  	[tilespmem:s17], [sflag:$0x1] =	stream.indirect.gather [hbm4b:s1+s21], $0x80, s4, s21, $0xb8;
	[tilespmem:$0x1E800] =	vst v63  }
0x42: {  	_ = 	snop  }
0x43: {  	[tilespmem:s22], [sflag:$0x1] =	stream.indirect.gather [hbm4b:s1+s21], $0x80, s21, s21, $0xb8;
	[tilespmem:$0x1E800] =	vst v63  }
0x44: {  	_ =	swait.ge [sflag:s19], $0x4000  }
0x45: {  	[sflag:s19] =	ssyncset.done $0x0  }
0x46: {  	[sflag:s19] =	ssyncadd.s32 $0xFFFFC000  }
0x47: {  	[spmem:s3] =	stream.indirect.scatter.add.f32 [tilespmem:s17], [sflag:$0x2], $0x80, s16, s21, $0xb8;
	[tilespmem:$0x1E800] =	vst v63  }
0x48: {  	_ =	swait.ge [sflag:s20], $0x4000  }
0x49: {  	[sflag:s20] =	ssyncset.done $0x0  }
0x4a: {  	[sflag:s20] =	ssyncadd.s32 $0xFFFFC000  }
0x4b: {  	[tilespmem:s17], [sflag:$0x1] =	stream.indirect.gather [hbm4b:s1+s21], $0x80, s23, s21, $0xb8;
	[tilespmem:$0x1E800] =	vst v63  }
0x4c: {  	_ =	swait.ge [sflag:s19], $0x4000  }
0x4d: {  	[sflag:s19] =	ssyncset.done $0x0  }
0x4e: {  	[sflag:s19] =	ssyncadd.s32 $0xFFFFC000  }
0x4f: {  	[spmem:s3] =	stream.indirect.scatter.add.f32 [tilespmem:s22], [sflag:$0x2], $0x80, s24, s21, $0xb8;
	[tilespmem:$0x1E800] =	vst v63  }
0x50: {  	_ =	swait.ge [sflag:s20], $0x4000  }
0x51: {  	[sflag:s20] =	ssyncset.done $0x0  }
0x52: {  	s30 =	simm.s32 $0x180;
	[sflag:s20] =	ssyncadd.s32 $0xFFFFC000  }
0x53: {  	[tilespmem:s22], [sflag:$0x1] =	stream.indirect.gather [hbm4b:s1+s21], $0x80, s30, s21, $0xb8;
	[tilespmem:$0x1E800] =	vst v63  }
0x54: {  	_ =	swait.ge [sflag:s19], $0x4000  }
0x55: {  	[sflag:s19] =	ssyncset.done $0x0  }
0x56: {  	s30 =	simm.s32 $0x1500;
	[sflag:s19] =	ssyncadd.s32 $0xFFFFC000  }
0x57: {  	[spmem:s3] =	stream.indirect.scatter.add.f32 [tilespmem:s17], [sflag:$0x2], $0x80, s30, s21, $0xb8;
	[tilespmem:$0x1E800] =	vst v63  }
0x58: {  	_ =	swait.ge [sflag:s20], $0x4000  }
0x59: {  	[sflag:s20] =	ssyncset.done $0x0  }
0x5a: {  	s30 =	simm.s32 $0x200;
	[sflag:s20] =	ssyncadd.s32 $0xFFFFC000  }
0x5b: {  	[tilespmem:s17], [sflag:$0x1] =	stream.indirect.gather [hbm4b:s1+s21], $0x80, s30, s21, $0xb8;
	[tilespmem:$0x1E800] =	vst v63  }
0x5c: {  	_ =	swait.ge [sflag:s19], $0x4000  }
0x5d: {  	[sflag:s19] =	ssyncset.done $0x0  }
0x5e: {  	s31 =	simm.s32 $0x1580;
	s30 =	simm.s32 $0xFFFFBC00;
	[sflag:s19] =	ssyncadd.s32 $0xFFFFC000  }
.LBB2_4:
0x5f: {  	[spmem:s3] =	stream.indirect.scatter.add.f32 [tilespmem:s22], [sflag:$0x2], $0x80, s31, s21, $0xb8;
	[tilespmem:$0x1E800] =	vst v63  }
0x60: {  	s31 =	smov.u32 s30  }
0x61: {  	p0 =	sne.s32 s30, $0xFFFFFC00;
	s30 =	sadd.s32 $0x400, s30;
	_ =	swait.ge [sflag:s20], $0x4000  }
0x62: {  	s31 =	sshra.s32 s31, $0x2;
	[sflag:s20] =	ssyncset.done $0x0  }
0x63: {  	s0 =	sadd.s32 $0x1380, s31;
	[sflag:s20] =	ssyncadd.s32 $0xFFFFC000  }
0x64: {  	[tilespmem:s22], [sflag:$0x1] =	stream.indirect.gather [hbm4b:s1+s21], $0x80, s0, s21, $0xb8;
	[tilespmem:$0x1E800] =	vst v63  }
0x65: {  	_ =	swait.ge [sflag:s19], $0x4000  }
0x66: {  	[sflag:s19] =	ssyncset.done $0x0  }
0x67: {  	s0 =	sadd.s32 $0x2700, s31;
	[sflag:s19] =	ssyncadd.s32 $0xFFFFC000  }
0x68: {  	[spmem:s3] =	stream.indirect.scatter.add.f32 [tilespmem:s17], [sflag:$0x2], $0x80, s0, s21, $0xb8;
	[tilespmem:$0x1E800] =	vst v63  }
0x69: {  	_ =	swait.ge [sflag:s20], $0x4000  }
0x6a: {  	[sflag:s20] =	ssyncset.done $0x0  }
.Ltmp1:
0x6b: {  	s0 =	sadd.s32 $0x1400, s31;
	[sflag:s20] =	ssyncadd.s32 $0xFFFFC000;
	(pc) =	sbr.rel @p0 .LBB2_4-.Ltmp1, $4  }
0x6c: {  	[tilespmem:s17], [sflag:$0x1] =	stream.indirect.gather [hbm4b:s1+s21], $0x80, s0, s21, $0xb8;
	[tilespmem:$0x1E800] =	vst v63  }
0x6d: {  	_ =	swait.ge [sflag:s19], $0x4000  }
0x6e: {  	[sflag:s19] =	ssyncset.done $0x0  }
0x6f: {  	s31 =	sadd.s32 $0x2780, s31;
	[sflag:s19] =	ssyncadd.s32 $0xFFFFC000  }
0x70: {  	[spmem:s3] =	stream.indirect.scatter.add.f32 [tilespmem:s22], [sflag:$0x2], $0x80, s31, s21, $0xb8;
	[tilespmem:$0x1E800] =	vst v63  }
0x71: {  	_ =	swait.ge [sflag:s20], $0x4000  }
0x72: {  	[sflag:s20] =	ssyncset.done $0x0  }
0x73: {  	[sflag:s20] =	ssyncadd.s32 $0xFFFFC000  }
0x74: {  	[tilespmem:s22], [sflag:$0x1] =	stream.indirect.gather [hbm4b:s1+s21], $0x80, s25, s21, $0xb8;
	[tilespmem:$0x1E800] =	vst v63  }
0x75: {  	_ =	swait.ge [sflag:s19], $0x4000  }
0x76: {  	[sflag:s19] =	ssyncset.done $0x0  }
0x77: {  	[sflag:s19] =	ssyncadd.s32 $0xFFFFC000  }
0x78: {  	[spmem:s3] =	stream.indirect.scatter.add.f32 [tilespmem:s17], [sflag:$0x2], $0x80, s26, s21, $0xb8;
	[tilespmem:$0x1E800] =	vst v63  }
0x79: {  	_ =	swait.ge [sflag:s20], $0x4000  }
0x7a: {  	[sflag:s20] =	ssyncset.done $0x0  }
0x7b: {  	[sflag:s20] =	ssyncadd.s32 $0xFFFFC000  }
0x7c: {  	_ =	swait.ge [sflag:s19], $0x4000  }
0x7d: {  	[sflag:s19] =	ssyncset.done $0x0  }
0x7e: {  	[sflag:s19] =	ssyncadd.s32 $0xFFFFC000  }
0x7f: {  	[spmem:s3] =	stream.indirect.scatter.add.f32 [tilespmem:s22], [sflag:$0x2], $0x80, s28, s21, $0xb8;
	[tilespmem:$0x1E800] =	vst v63  }
0x80: {  	_ =	swait.ge [sflag:s20], $0x4000  }
0x81: {  	[sflag:s20] =	ssyncset.done $0x0  }
0x82: {  	[sflag:s20] =	ssyncadd.s32 $0xFFFFC000  }
0x83: {  	[tilespmem:s4], [sflag:$0x3] =	stream.linear.gather [hbm4b:s12+s4], $0x1400, $0x38;
	[tilespmem:$0x1E800] =	vst v63  }
0x84: {  	_ =	swait.ge [sflag:s18], $0x1400  }
0x85: {  	[sflag:s18] =	ssyncset.done $0x0  }
0x86: {  	[sflag:s18] =	ssyncadd.s32 $0xFFFFEC00  }
0x87: {  	[tilespmem:s16], [sflag:$0x3] =	stream.linear.gather [hbm4b:s13+s4], $0x1400, $0x38;
	[tilespmem:$0x1E800] =	vst v63  }
0x88: {  	_ =	swait.ge [sflag:s18], $0x1400  }
0x89: {  	[sflag:s18] =	ssyncset.done $0x0  }
0x8a: {  	[sflag:s18] =	ssyncadd.s32 $0xFFFFEC00  }
0x8b: {  	[tilespmem:s17], [sflag:$0x1] =	stream.indirect.gather [hbm4b:s1+s21], $0x80, s4, s21, $0xb8;
	[tilespmem:$0x1E800] =	vst v63  }
0x8c: {  	_ = 	snop  }
0x8d: {  	[tilespmem:s22], [sflag:$0x1] =	stream.indirect.gather [hbm4b:s1+s21], $0x80, s21, s21, $0xb8;
	[tilespmem:$0x1E800] =	vst v63  }
0x8e: {  	_ =	swait.ge [sflag:s19], $0x4000  }
0x8f: {  	[sflag:s19] =	ssyncset.done $0x0  }
0x90: {  	[sflag:s19] =	ssyncadd.s32 $0xFFFFC000  }
0x91: {  	[spmem:s3] =	stream.indirect.scatter.add.f32 [tilespmem:s17], [sflag:$0x2], $0x80, s16, s21, $0xb8;
	[tilespmem:$0x1E800] =	vst v63  }
0x92: {  	_ =	swait.ge [sflag:s20], $0x4000  }
0x93: {  	[sflag:s20] =	ssyncset.done $0x0  }
0x94: {  	[sflag:s20] =	ssyncadd.s32 $0xFFFFC000  }
0x95: {  	[tilespmem:s17], [sflag:$0x1] =	stream.indirect.gather [hbm4b:s1+s21], $0x80, s23, s21, $0xb8;
	[tilespmem:$0x1E800] =	vst v63  }
0x96: {  	_ =	swait.ge [sflag:s19], $0x4000  }
0x97: {  	[sflag:s19] =	ssyncset.done $0x0  }
0x98: {  	[sflag:s19] =	ssyncadd.s32 $0xFFFFC000  }
0x99: {  	[spmem:s3] =	stream.indirect.scatter.add.f32 [tilespmem:s22], [sflag:$0x2], $0x80, s24, s21, $0xb8;
	[tilespmem:$0x1E800] =	vst v63  }
0x9a: {  	_ =	swait.ge [sflag:s20], $0x4000  }
0x9b: {  	[sflag:s20] =	ssyncset.done $0x0  }
0x9c: {  	s0 =	simm.s32 $0x180;
	[sflag:s20] =	ssyncadd.s32 $0xFFFFC000  }
0x9d: {  	[tilespmem:s22], [sflag:$0x1] =	stream.indirect.gather [hbm4b:s1+s21], $0x80, s0, s21, $0xb8;
	[tilespmem:$0x1E800] =	vst v63  }
0x9e: {  	_ =	swait.ge [sflag:s19], $0x4000  }
0x9f: {  	[sflag:s19] =	ssyncset.done $0x0  }
0xa0: {  	s0 =	simm.s32 $0x1500;
	[sflag:s19] =	ssyncadd.s32 $0xFFFFC000  }
0xa1: {  	[spmem:s3] =	stream.indirect.scatter.add.f32 [tilespmem:s17], [sflag:$0x2], $0x80, s0, s21, $0xb8;
	[tilespmem:$0x1E800] =	vst v63  }
0xa2: {  	_ =	swait.ge [sflag:s20], $0x4000  }
0xa3: {  	[sflag:s20] =	ssyncset.done $0x0  }
0xa4: {  	s0 =	simm.s32 $0x200;
	[sflag:s20] =	ssyncadd.s32 $0xFFFFC000  }
0xa5: {  	[tilespmem:s17], [sflag:$0x1] =	stream.indirect.gather [hbm4b:s1+s21], $0x80, s0, s21, $0xb8;
	[tilespmem:$0x1E800] =	vst v63  }
0xa6: {  	_ =	swait.ge [sflag:s19], $0x4000  }
0xa7: {  	[sflag:s19] =	ssyncset.done $0x0  }
0xa8: {  	s30 =	simm.s32 $0xFFFFBC00;
	s31 =	simm.s32 $0x1580;
	[sflag:s19] =	ssyncadd.s32 $0xFFFFC000  }
.LBB2_6:
0xa9: {  	[spmem:s3] =	stream.indirect.scatter.add.f32 [tilespmem:s22], [sflag:$0x2], $0x80, s31, s21, $0xb8;
	[tilespmem:$0x1E800] =	vst v63  }
0xaa: {  	s0 =	smov.u32 s30  }
0xab: {  	p0 =	sne.s32 s30, $0xFFFFFC00;
	s30 =	sadd.s32 $0x400, s30;
	_ =	swait.ge [sflag:s20], $0x4000  }
0xac: {  	s0 =	sshra.s32 s0, $0x2;
	[sflag:s20] =	ssyncset.done $0x0  }
0xad: {  	s31 =	sadd.s32 $0x1380, s0;
	[sflag:s20] =	ssyncadd.s32 $0xFFFFC000  }
0xae: {  	[tilespmem:s22], [sflag:$0x1] =	stream.indirect.gather [hbm4b:s1+s21], $0x80, s31, s21, $0xb8;
	[tilespmem:$0x1E800] =	vst v63  }
0xaf: {  	_ =	swait.ge [sflag:s19], $0x4000  }
0xb0: {  	[sflag:s19] =	ssyncset.done $0x0  }
0xb1: {  	s31 =	sadd.s32 $0x2700, s0;
	[sflag:s19] =	ssyncadd.s32 $0xFFFFC000  }
0xb2: {  	[spmem:s3] =	stream.indirect.scatter.add.f32 [tilespmem:s17], [sflag:$0x2], $0x80, s31, s21, $0xb8;
	[tilespmem:$0x1E800] =	vst v63  }
0xb3: {  	_ =	swait.ge [sflag:s20], $0x4000  }
0xb4: {  	[sflag:s20] =	ssyncset.done $0x0  }
.Ltmp2:
0xb5: {  	s31 =	sadd.s32 $0x1400, s0;
	[sflag:s20] =	ssyncadd.s32 $0xFFFFC000;
	(pc) =	sbr.rel @p0 .LBB2_6-.Ltmp2, $4  }
0xb6: {  	[tilespmem:s17], [sflag:$0x1] =	stream.indirect.gather [hbm4b:s1+s21], $0x80, s31, s21, $0xb8;
	[tilespmem:$0x1E800] =	vst v63  }
0xb7: {  	_ =	swait.ge [sflag:s19], $0x4000  }
0xb8: {  	[sflag:s19] =	ssyncset.done $0x0  }
0xb9: {  	s31 =	sadd.s32 $0x2780, s0;
	[sflag:s19] =	ssyncadd.s32 $0xFFFFC000  }
0xba: {  	[spmem:s3] =	stream.indirect.scatter.add.f32 [tilespmem:s22], [sflag:$0x2], $0x80, s31, s21, $0xb8;
	[tilespmem:$0x1E800] =	vst v63  }
0xbb: {  	_ =	swait.ge [sflag:s20], $0x4000  }
0xbc: {  	[sflag:s20] =	ssyncset.done $0x0  }
0xbd: {  	[sflag:s20] =	ssyncadd.s32 $0xFFFFC000  }
0xbe: {  	[tilespmem:s22], [sflag:$0x1] =	stream.indirect.gather [hbm4b:s1+s21], $0x80, s25, s21, $0xb8;
	[tilespmem:$0x1E800] =	vst v63  }
0xbf: {  	_ =	swait.ge [sflag:s19], $0x4000  }
0xc0: {  	[sflag:s19] =	ssyncset.done $0x0  }
0xc1: {  	[sflag:s19] =	ssyncadd.s32 $0xFFFFC000  }
0xc2: {  	[spmem:s3] =	stream.indirect.scatter.add.f32 [tilespmem:s17], [sflag:$0x2], $0x80, s26, s21, $0xb8;
	[tilespmem:$0x1E800] =	vst v63  }
0xc3: {  	_ =	swait.ge [sflag:s20], $0x4000  }
0xc4: {  	[sflag:s20] =	ssyncset.done $0x0  }
0xc5: {  	[sflag:s20] =	ssyncadd.s32 $0xFFFFC000  }
0xc6: {  	_ =	swait.ge [sflag:s19], $0x4000  }
0xc7: {  	[sflag:s19] =	ssyncset.done $0x0  }
0xc8: {  	[sflag:s19] =	ssyncadd.s32 $0xFFFFC000  }
0xc9: {  	[spmem:s3] =	stream.indirect.scatter.add.f32 [tilespmem:s22], [sflag:$0x2], $0x80, s28, s21, $0xb8;
	[tilespmem:$0x1E800] =	vst v63  }
0xca: {  	_ =	swait.ge [sflag:s20], $0x4000  }
0xcb: {  	s0 =	sshll.u32 s2, $0x6;
	s29 =	sadd.s32 $0x1, s29;
	[sflag:s20] =	ssyncset.done $0x0  }
0xcc: {  	s30 =	sshrl.u32 s7, $0x3;
	p0 =	sne.s32 s29, s15;
	[sflag:s20] =	ssyncadd.s32 $0xFFFFC000  }
.Ltmp3:
0xcd: {  	s0 =	sor.u32 $0x1C03, s0;
	[bflag:$0x0] =	sbarrier.arrive $0xFFFF;
	(pc) =	sbr.rel @p0 .LBB2_1-.Ltmp3, $4  }
0xce: {  	[hbm:s14], [sflag:s0] =	dma.local [spmem:s30], $0x2800  }
0xcf: {  	_ =	swait.ge [sflag:s18], $0x2800  }
0xd0: {  	[sflag:s18] =	ssyncset.done $0x0  }
0xd1: {  	[sflag:s18] =	ssyncadd.s32 $0xFFFFD800  }
0xd2: {  	_ =	sfence.sel $0x180000  }
0xd3: {  	[bflag:$0x0] =	sbarrier.arrive $0xFFFF  }
0xd4: {  	_ =	strace $0x90000047  }
0xd5: {  	[bflag:$0x2] =	sbarrier.arrive $0xFFFF  }
0xd6: {  	p0 =	sne.s32 s2, $0x0;
	s0 =	rddreg [dreg:$0x4]  }
0xd7: {  	s0 =	sadd.s32 @!p0 $0x100000, s0  }
0xd8: {  	[sflag:s0] =	ssyncadd.tile.s32 @!p0 $0x1;
	_ =	shalt  }
.Lfunc_end2:
_tile_overlayer_lowered:
.L_overlay_start_2:
0xd9: {  	(tag) =	ssettag $0x2  }
0xda: {  	s0 =	rddreg [dreg:$0x0];
	s2 =	stileid.u32  }
0xdb: {  	s1 =	rddreg [dreg:$0x1];
	p0 =	sne.s32 s2, $0x0  }
0xdc: {  	s3 =	rddreg [dreg:$0x2];
	[bflag:$0x3] =	sbarrier.arrive $0xFFFF;
	s2 =	simm.s32 @!p0 $0x1C03  }
0xdd: {  	[timem:s3], [sflag:s2] =	dma.local @!p0 [hbm:s0], s1  }
0xde: {  	s0 =	simm.s32 @!p0 $0x3  }
0xdf: {  	_ =	swait.ge @!p0 [sflag:s0], s1  }
0xe0: {  	s1 =	ssub.s32 @!p0 $0x0, s1;
	[sflag:s0] =	ssyncset.done @!p0 $0x0  }
0xe1: {  	[sflag:s0] =	ssyncadd.s32 @!p0 s1  }
0xe2: {  	[bflag:$0x3] =	sbarrier.arrive $0xFFFF  }
0xe3: {  	_ =	shalt  }

</sc_bundles>
